<compile_context>
chip_gen: v7x
topology: tpu7x:2x2x1
jax: 0.10.2.dev20260603
libtpu: 0.0.44.dev20260713+nightly
codegen_flags: <defaults>
</compile_context>

<pallas_src>
import functools

import jax
import jax.numpy as jnp
from jax import lax
from jax.experimental import pallas as pl
from jax.experimental.pallas import tpu as pltpu
from jax.experimental.pallas import tpu_sc as plsc
from jax.sharding import PartitionSpec as P

_COMMIT = 0.25
_TAU = 0.5

_TN = 512
_TK = 1024
_TN2 = 512
_TK2 = 2048

_KS1 = 42
_KS2 = 0x1BD11BF0
_TINY = 1.1754943508222875e-38


def _tf_rounds(x0, x1, rots):
    for r in rots:
        x0 = x0 + x1
        x1 = lax.shift_left(x1, jnp.uint32(r)) | lax.shift_right_logical(
            x1, jnp.uint32(32 - r))
        x1 = x1 ^ x0
    return x0, x1


def _gumbel_tile(row0, j, k_total, shape):
    ra = (13, 15, 26, 6)
    rb = (17, 29, 16, 24)
    base = (row0 * k_total + j * shape[1] + _KS1).astype(jnp.uint32)
    rr = lax.broadcasted_iota(jnp.uint32, shape, 0)
    cc = lax.broadcasted_iota(jnp.uint32, shape, 1)
    x1 = rr * jnp.uint32(k_total) + cc + base
    x0 = x1
    x1 = (lax.shift_left(x1, jnp.uint32(13))
          | lax.shift_right_logical(x1, jnp.uint32(19))) ^ x0
    x0, x1 = _tf_rounds(x0, x1, ra[1:])
    x0, x1 = x0 + jnp.uint32(_KS1), x1 + jnp.uint32(_KS2 + 1)
    x0, x1 = _tf_rounds(x0, x1, rb)
    x0, x1 = x0 + jnp.uint32(_KS2), x1 + jnp.uint32(2)
    x0, x1 = _tf_rounds(x0, x1, ra)
    x0, x1 = x0, x1 + jnp.uint32(_KS1 + 3)
    x0, x1 = _tf_rounds(x0, x1, rb)
    x0, x1 = x0 + jnp.uint32(_KS1), x1 + jnp.uint32(_KS2 + 4)
    x0, x1 = _tf_rounds(x0, x1, ra)
    x0, x1 = x0 + jnp.uint32(_KS2), x1 + jnp.uint32(5)
    bits = x0 ^ x1
    fb = lax.shift_right_logical(bits, jnp.uint32(9)) | jnp.uint32(0x3F800000)
    fl = lax.bitcast_convert_type(fb, jnp.float32) - 1.0
    u = jnp.maximum(jnp.float32(_TINY), fl + jnp.float32(_TINY))
    return -jnp.log(-jnp.log(u))


def _dist_body(roff_ref, xn_ref, wn_ref, x_ref, w_ref, ent_ref, idx_ref,
               m_s, s_s, u_s, best_s, bidx_s, k_total, tn):
    i = pl.program_id(0)
    j = pl.program_id(1)
    nk = pl.num_programs(1)

    @pl.when(j == 0)
    def _init():
        m_s[...] = jnp.full(m_s.shape, -1e30, jnp.float32)
        s_s[...] = jnp.zeros(s_s.shape, jnp.float32)
        u_s[...] = jnp.zeros(u_s.shape, jnp.float32)
        best_s[...] = jnp.full(best_s.shape, -jnp.inf, jnp.float32)
        bidx_s[...] = jnp.zeros(bidx_s.shape, jnp.int32)

    dot = lax.dot_general(
        x_ref[...].astype(jnp.bfloat16), w_ref[...].astype(jnp.bfloat16),
        (((1,), (1,)), ((), ())), preferred_element_type=jnp.float32)
    d = (xn_ref[...] + wn_ref[...]) - 2.0 * dot
    g = _gumbel_tile(roff_ref[0] + i * tn, j, k_total, d.shape)
    sc = g - d
    tmax = jnp.max(sc, axis=1, keepdims=True)
    col = lax.broadcasted_iota(jnp.int32, sc.shape, 1) + j * _TK
    cand = jnp.min(jnp.where(sc == tmax, col, jnp.int32(2 ** 30)),
                   axis=1, keepdims=True)
    upd = tmax > best_s[...]
    best_s[...] = jnp.where(upd, tmax, best_s[...])
    bidx_s[...] = jnp.where(upd, cand, bidx_s[...])

    l = -2.0 * d
    mt = jnp.max(l, axis=1, keepdims=True)
    m_old = m_s[...]
    m_new = jnp.maximum(m_old, mt)
    scale = jnp.exp(m_old - m_new)
    t = l - m_new
    e = jnp.exp(t)
    s_t = jnp.sum(e, axis=1, keepdims=True)
    u_t = jnp.sum(t * e, axis=1, keepdims=True)
    s_old = s_s[...]
    u_s[...] = (u_s[...] + (m_old - m_new) * s_old) * scale + u_t
    s_s[...] = s_old * scale + s_t
    m_s[...] = m_new

    @pl.when(j == nk - 1)
    def _fin():
        s = s_s[...]
        ent_ref[...] = u_s[...] / s - jnp.log(s)
        idx_ref[...] = bidx_s[...]


def _dist_call(roff, xn, wn, flat, weight):
    n, ddim = flat.shape
    k = weight.shape[0]
    tn = next(t for t in (_TN, 256, 128, 64, 32, 16, 8) if n % t == 0)
    grid = (n // tn, k // _TK)
    return pl.pallas_call(
        functools.partial(_dist_body, k_total=k, tn=tn),
        grid=grid,
        in_specs=[
            pl.BlockSpec(memory_space=pltpu.SMEM),
            pl.BlockSpec((tn, 1), lambda i, j: (i, 0)),
            pl.BlockSpec((1, _TK), lambda i, j: (0, j)),
            pl.BlockSpec((tn, ddim), lambda i, j: (i, 0)),
            pl.BlockSpec((_TK, ddim), lambda i, j: (j, 0)),
        ],
        out_specs=[
            pl.BlockSpec((tn, 1), lambda i, j: (i, 0)),
            pl.BlockSpec((tn, 1), lambda i, j: (i, 0)),
        ],
        out_shape=[
            jax.ShapeDtypeStruct((n, 1), jnp.float32),
            jax.ShapeDtypeStruct((n, 1), jnp.int32),
        ],
        scratch_shapes=[
            pltpu.VMEM((tn, 1), jnp.float32),
            pltpu.VMEM((tn, 1), jnp.float32),
            pltpu.VMEM((tn, 1), jnp.float32),
            pltpu.VMEM((tn, 1), jnp.float32),
            pltpu.VMEM((tn, 1), jnp.int32),
        ],
        compiler_params=pltpu.CompilerParams(
            dimension_semantics=("arbitrary", "arbitrary")),
    )(roff, xn, wn, flat, weight)


def _onehot_body(idx_ref, ent_ref, enc_ref, cnt_ref, esum_ref,
                 cnt_s, esum_s):
    jj = pl.program_id(0)
    ii = pl.program_id(1)
    ni = pl.num_programs(1)

    idx = idx_ref[...]
    col = lax.broadcasted_iota(jnp.int32, (_TN2, _TK2), 1) + jj * _TK2
    e = (col == idx).astype(jnp.float32)
    enc_ref[...] = e

    @pl.when(ii == 0)
    def _zero_cnt():
        cnt_s[...] = jnp.zeros(cnt_s.shape, jnp.float32)

    cnt_s[...] += jnp.sum(e, axis=0, keepdims=True)

    @pl.when(jj == 0)
    def _acc_ent():
        @pl.when(ii == 0)
        def _zero_esum():
            esum_s[...] = jnp.zeros(esum_s.shape, jnp.float32)

        esum_s[...] += jnp.sum(ent_ref[...])

    @pl.when(ii == ni - 1)
    def _fin():
        cnt_ref[...] = cnt_s[...]
        esum_ref[...] = esum_s[...]


def _onehot_call(idx, ent, k):
    n = idx.shape[0]
    grid = (k // _TK2, n // _TN2)
    return pl.pallas_call(
        _onehot_body,
        grid=grid,
        in_specs=[
            pl.BlockSpec((_TN2, 1), lambda jj, ii: (ii, 0)),
            pl.BlockSpec((_TN2, 1), lambda jj, ii: (ii, 0)),
        ],
        out_specs=[
            pl.BlockSpec((_TN2, _TK2), lambda jj, ii: (ii, jj)),
            pl.BlockSpec((1, _TK2), lambda jj, ii: (0, jj)),
            pl.BlockSpec((1, 1), lambda jj, ii: (0, 0)),
        ],
        out_shape=[
            jax.ShapeDtypeStruct((n, k), jnp.float32),
            jax.ShapeDtypeStruct((1, k), jnp.float32),
            jax.ShapeDtypeStruct((1, 1), jnp.float32),
        ],
        scratch_shapes=[
            pltpu.VMEM((1, _TK2), jnp.float32),
            pltpu.VMEM((1, 1), jnp.float32),
        ],
        compiler_params=pltpu.CompilerParams(
            dimension_semantics=("arbitrary", "arbitrary")),
    )(idx, ent)


def _finalize_body(cnt_ref, esum_ref, loss_ref, perp_ref, n_total):
    avg = cnt_ref[...] / float(n_total)
    pent = jnp.sum(avg * jnp.log(avg + 1e-10), axis=1, keepdims=True)
    loss_ref[...] = _COMMIT * (esum_ref[...] / float(n_total))
    perp_ref[...] = jnp.exp(-pent)


def _finalize_call(cnt, esum, n_total):
    return pl.pallas_call(
        functools.partial(_finalize_body, n_total=n_total),
        out_shape=[
            jax.ShapeDtypeStruct((1, 1), jnp.float32),
            jax.ShapeDtypeStruct((1, 1), jnp.float32),
        ],
    )(cnt, esum)


def _sc_gather_build(n, ddim):
    try:
        info = plsc.get_sparse_core_info()
        nw = info.num_cores * info.num_subcores
        ncores = info.num_cores
    except Exception:
        nw, ncores = 32, 2
    bpw = n // nw
    mesh = plsc.VectorSubcoreMesh(core_axis_name="c", subcore_axis_name="s")

    @functools.partial(
        pl.kernel,
        out_type=jax.ShapeDtypeStruct((n, ddim), jnp.float32),
        mesh=mesh,
        scratch_types=[
            pltpu.VMEM((bpw,), jnp.int32),
            pltpu.VMEM((bpw, ddim), jnp.float32),
            pltpu.SemaphoreType.DMA,
        ],
    )
    def _sc_gather(w_hbm, idx_hbm, out_hbm, idx_v, rows_v, sem):
        wid = lax.axis_index("s") * ncores + lax.axis_index("c")
        base = wid * bpw
        pltpu.sync_copy(idx_hbm.at[pl.ds(base, bpw)], idx_v)
        pltpu.async_copy(w_hbm.at[idx_v], rows_v, sem).wait()
        pltpu.sync_copy(rows_v, out_hbm.at[pl.ds(base, bpw)])

    return _sc_gather


def _pipeline(inputs_l, weight, roff, n_total, axis_name):
    x = jnp.transpose(inputs_l, (0, 2, 3, 1))
    b, h, w, dd = x.shape
    flat = x.reshape(-1, dd)
    k = weight.shape[0]

    xn = jnp.sum(flat ** 2, axis=1, keepdims=True)
    wn = jnp.sum(weight ** 2, axis=1)[None, :]

    ent, idx = _dist_call(roff, xn, wn, flat, weight)
    quant = _sc_gather_build(flat.shape[0], dd)(weight, idx.reshape(-1))
    enc, cnt, esum = _onehot_call(idx, ent, k)

    if axis_name is not None:
        cnt = lax.psum(cnt, axis_name)
        esum = lax.psum(esum, axis_name)
    loss11, perp11 = _finalize_call(cnt, esum, n_total)

    q_l = jnp.transpose(quant.reshape(b, h, w, dd), (0, 3, 1, 2))
    return loss11, q_l, perp11, enc


def kernel(inputs, weight):
    n_total = inputs.shape[0] * inputs.shape[2] * inputs.shape[3]
    roff = jnp.zeros((1,), jnp.int32)
    loss11, q_out, perp11, enc = _pipeline(
        inputs, weight, roff, n_total, None)
    return (loss11[0, 0], q_out, perp11[0, 0], enc)

# --- scband reference (transcript-rebuilt; emitter-appended) ---
"""Pipeline reference for scband-vector-quantizer-ema-30176440222158 (READ-ONLY COPY).

The authoritative reference and input builder live on the scoring server;
editing this copy changes nothing except your own understanding.
"""

import jax, jax.numpy as jnp
import numpy as np

NUM_EMBEDDINGS = 8192
EMBEDDING_DIM = 256
COMMITMENT_COST = 0.25
NU = 0.25
TAU = 0.5


def setup_inputs(seed: int = 0) -> dict:
    key = jax.random.key(seed)
    k1, k2 = jax.random.split(key)
    inputs = jax.random.normal(k1, (8, 256, 24, 24), dtype=jnp.float32)
    # learned codebook (nn.Embedding weight), frozen in the torch module
    weight = jax.random.normal(k2, (NUM_EMBEDDINGS, EMBEDDING_DIM), dtype=jnp.float32) * 0.02
    return {"inputs": inputs, "weight": weight}


def reference(inputs, weight):
    # b d h w -> b h w d
    x = jnp.transpose(inputs, (0, 2, 3, 1))
    b, h, w, d = x.shape
    flat_input = x.reshape(-1, d)
    # squared L2 distances to every codebook entry: [N, K]
    distances = (
        jnp.sum(flat_input ** 2, axis=1, keepdims=True)
        + jnp.sum(weight ** 2, axis=1)
        - 2.0 * jnp.einsum('bd,nd->bn', flat_input, weight)
    )
    soft_encodings = jax.nn.softmax(-distances / TAU, axis=-1)
    # F.gumbel_softmax(-distances, tau, hard=True) under torch.no_grad ->
    # numerically a hard one-hot of argmax(logits + gumbel noise), detached
    gkey = jax.random.key(42)
    gumbel = jax.random.gumbel(gkey, distances.shape, dtype=distances.dtype)
    idx = jnp.argmax((-distances + gumbel) / TAU, axis=-1)
    encodings = jax.lax.stop_gradient(jax.nn.one_hot(idx, NUM_EMBEDDINGS, dtype=flat_input.dtype))
    quantized = jnp.matmul(encodings, weight).reshape(b, h, w, d)
    probs = soft_encodings
    loss_latents = jnp.mean(jnp.sum(probs * jnp.log(jnp.clip(probs, 1e-08)), axis=-1), axis=0)
    loss = COMMITMENT_COST * loss_latents
    quantized = quantized + NU * (quantized - jax.lax.stop_gradient(quantized))
    avg_probs = jnp.mean(encodings, axis=0)
    perplexity = jnp.exp(-jnp.sum(avg_probs * jnp.log(avg_probs + 1e-10)))
    q_out = jnp.transpose(quantized, (0, 3, 1, 2))
    return (loss, q_out, perplexity, encodings)

if __name__ == "__main__":
    import jax
    _d = setup_inputs()
    print(jax.jit(kernel)(*tuple(_d.values())))

</pallas_src>

<mosaic_0001>
#map = affine_map<(d0, d1) -> (0, 0)>
#map1 = affine_map<(d0, d1) -> (0)>
module attributes {stable_mosaic.version = 14 : i64} {
  func.func @_sc_gather(%arg0: i32, %arg1: i32, %arg2: memref<8192x256xf32, #tpu.memory_space<hbm>>, %arg3: memref<4608xi32, #tpu.memory_space<hbm>>, %arg4: memref<4608x256xf32, #tpu.memory_space<hbm>>, %arg5: memref<144xi32, #tpu.memory_space<vmem>>, %arg6: memref<144x256xf32, #tpu.memory_space<vmem>>, %arg7: memref<!tpu.dma_semaphore, #tpu.memory_space<semaphore_mem>>) attributes {dimension_semantics = [#tpu.dimension_semantics<core_parallel>, #tpu.dimension_semantics<subcore_parallel>], iteration_bounds = array<i64: 2, 16>, scalar_prefetch = 0 : i64, scratch_operands = 3 : i64, tpu.core_type = #tpu.core_type<sc_vector_subcore>, window_params = [{transform_indices = #map}, {transform_indices = #map1}, {transform_indices = #map}]} {
    %mul3A = arith.constant 2 : i32
    %mul3A_0 = arith.muli %arg1, %mul3A : i32
    %add3A = arith.addi %mul3A_0, %arg0 : i32
    %mul3A_1 = arith.constant 144 : i32
    %mul3A_2 = arith.muli %add3A, %mul3A_1 : i32
    "tpu.region"() ({
      %run_scoped3A = tpu.sem_alloc : memref<!tpu.dma_semaphore, #tpu.memory_space<semaphore_mem>>
      %dma_start3A_7 = tpu.memref_slice %arg3[%mul3A_2] : memref<4608xi32, #tpu.memory_space<hbm>> -> memref<144xi32, #tpu.memory_space<hbm>>
      %dma_start3A_8 = tpu.memref_slice %arg3[%mul3A_2] : memref<4608xi32, #tpu.memory_space<hbm>> -> memref<144xi32, #tpu.memory_space<hbm>>
      tpu.enqueue_dma source(%dma_start3A_8 : memref<144xi32, #tpu.memory_space<hbm>>) target(%arg5 : memref<144xi32, #tpu.memory_space<vmem>>) target_semaphore(%run_scoped3A : memref<!tpu.dma_semaphore, #tpu.memory_space<semaphore_mem>>)
      %dma_wait3A_9 = tpu.memref_slice %arg3[%mul3A_2] : memref<4608xi32, #tpu.memory_space<hbm>> -> memref<144xi32, #tpu.memory_space<hbm>>
      %dma_wait3A_10 = tpu.memref_slice %arg3[%mul3A_2] : memref<4608xi32, #tpu.memory_space<hbm>> -> memref<144xi32, #tpu.memory_space<hbm>>
      tpu.wait_dma2 semaphore(%run_scoped3A : memref<!tpu.dma_semaphore, #tpu.memory_space<semaphore_mem>>) src(%dma_wait3A_10 : memref<144xi32, #tpu.memory_space<hbm>>) dst(%arg5 : memref<144xi32, #tpu.memory_space<vmem>>)
      tpu.yield
    }) : () -> ()
    %dma_start3A = arith.constant 0 : i32
    %dma_start3A_3 = arith.constant 0 : i32
    %dma_start3A_4 = tpu.memref_slice %arg2[%dma_start3A, %dma_start3A_3] : memref<8192x256xf32, #tpu.memory_space<hbm>> -> memref<8192x256xf32, #tpu.memory_space<hbm>>
    tpu.enqueue_indirect_dma source(%dma_start3A_4 : memref<8192x256xf32, #tpu.memory_space<hbm>>) target(%arg6 : memref<144x256xf32, #tpu.memory_space<vmem>>) offsets(%arg5 : memref<144xi32, #tpu.memory_space<vmem>>) semaphore(%arg7 : memref<!tpu.dma_semaphore, #tpu.memory_space<semaphore_mem>>)
    %dma_wait3A = arith.constant 0 : i32
    %dma_wait3A_5 = arith.constant 0 : i32
    %dma_wait3A_6 = tpu.memref_slice %arg2[%dma_wait3A, %dma_wait3A_5] : memref<8192x256xf32, #tpu.memory_space<hbm>> -> memref<8192x256xf32, #tpu.memory_space<hbm>>
    tpu.wait_indirect_dma semaphore(%arg7 : memref<!tpu.dma_semaphore, #tpu.memory_space<semaphore_mem>>) src(%dma_wait3A_6 : memref<8192x256xf32, #tpu.memory_space<hbm>>) dst(%arg6 : memref<144x256xf32, #tpu.memory_space<vmem>>)
    "tpu.region"() ({
      %run_scoped3A = tpu.sem_alloc : memref<!tpu.dma_semaphore, #tpu.memory_space<semaphore_mem>>
      %dma_start3A_7 = arith.constant 0 : i32
      %dma_start3A_8 = tpu.memref_slice %arg4[%mul3A_2, %dma_start3A_7] : memref<4608x256xf32, #tpu.memory_space<hbm>> -> memref<144x256xf32, #tpu.memory_space<hbm>>
      %dma_start3A_9 = arith.constant 0 : i32
      %dma_start3A_10 = tpu.memref_slice %arg4[%mul3A_2, %dma_start3A_9] : memref<4608x256xf32, #tpu.memory_space<hbm>> -> memref<144x256xf32, #tpu.memory_space<hbm>>
      tpu.enqueue_dma source(%arg6 : memref<144x256xf32, #tpu.memory_space<vmem>>) target(%dma_start3A_10 : memref<144x256xf32, #tpu.memory_space<hbm>>) target_semaphore(%run_scoped3A : memref<!tpu.dma_semaphore, #tpu.memory_space<semaphore_mem>>)
      %dma_wait3A_11 = arith.constant 0 : i32
      %dma_wait3A_12 = tpu.memref_slice %arg4[%mul3A_2, %dma_wait3A_11] : memref<4608x256xf32, #tpu.memory_space<hbm>> -> memref<144x256xf32, #tpu.memory_space<hbm>>
      %dma_wait3A_13 = arith.constant 0 : i32
      %dma_wait3A_14 = tpu.memref_slice %arg4[%mul3A_2, %dma_wait3A_13] : memref<4608x256xf32, #tpu.memory_space<hbm>> -> memref<144x256xf32, #tpu.memory_space<hbm>>
      tpu.wait_dma2 semaphore(%run_scoped3A : memref<!tpu.dma_semaphore, #tpu.memory_space<semaphore_mem>>) src(%arg6 : memref<144x256xf32, #tpu.memory_space<vmem>>) dst(%dma_wait3A_14 : memref<144x256xf32, #tpu.memory_space<hbm>>)
      tpu.yield
    }) : () -> ()
    return
  }
}

module attributes {stable_mosaic.version = 14 : i64} {
  func.func @_dist_body(%arg0: i32, %arg1: i32, %arg2: memref<1xi32, #tpu.memory_space<smem>>, %arg3: memref<512x1xf32, #tpu.memory_space<vmem>>, %arg4: memref<1x1024xf32, #tpu.memory_space<vmem>>, %arg5: memref<512x256xf32, #tpu.memory_space<vmem>>, %arg6: memref<1024x256xf32, #tpu.memory_space<vmem>>, %arg7: memref<512x1xf32, #tpu.memory_space<vmem>>, %arg8: memref<512x1xi32, #tpu.memory_space<vmem>>, %arg9: memref<512x1xf32, #tpu.memory_space<vmem>>, %arg10: memref<512x1xf32, #tpu.memory_space<vmem>>, %arg11: memref<512x1xf32, #tpu.memory_space<vmem>>, %arg12: memref<512x1xf32, #tpu.memory_space<vmem>>, %arg13: memref<512x1xi32, #tpu.memory_space<vmem>>) attributes {dimension_semantics = [#tpu.dimension_semantics<arbitrary>, #tpu.dimension_semantics<arbitrary>], iteration_bounds = array<i64: 9, 8>, scalar_prefetch = 0 : i64, scratch_operands = 5 : i64, tpu.core_type = #tpu.core_type<tc>, window_params = [{transform_indices = @transform_0, window_bounds = array<i64: 1>}, {transform_indices = @transform_1, window_bounds = array<i64: 512, 1>}, {transform_indices = @transform_2, window_bounds = array<i64: 1, 1024>}, {transform_indices = @transform_3, window_bounds = array<i64: 512, 256>}, {transform_indices = @transform_4, window_bounds = array<i64: 1024, 256>}, {transform_indices = @transform_5, window_bounds = array<i64: 512, 1>}, {transform_indices = @transform_6, window_bounds = array<i64: 512, 1>}]} {
    %eq3A = arith.constant 0 : i32
    %eq3A_0 = arith.cmpi eq, %arg1, %eq3A : i32
    %convert_element_type3A = arith.extui %eq3A_0 : i1 to i32
    %cond3A = arith.constant 0 : i32
    %cond3A_1 = arith.cmpi ne, %convert_element_type3A, %cond3A : i32
    scf.if %cond3A_1 {
      %broadcast_in_dim3A_337 = arith.constant -1.000000e+30 : f32
      %broadcast_in_dim3A_338 = vector.broadcast %broadcast_in_dim3A_337 : f32 to vector<512x1xf32>
      %swap3A_339 = arith.constant 0 : index
      %swap3A_340 = arith.constant 0 : index
      %swap3A_341 = vector.load %arg9[%swap3A_339, %swap3A_340] : memref<512x1xf32, #tpu.memory_space<vmem>>, vector<512x1xf32>
      tpu.vector_store %arg9[%swap3A_339, %swap3A_340], %broadcast_in_dim3A_338 {strides = array<i32>} : memref<512x1xf32, #tpu.memory_space<vmem>>, vector<512x1xf32>,
      %broadcast_in_dim3A_342 = arith.constant 0.000000e+00 : f32
      %broadcast_in_dim3A_343 = vector.broadcast %broadcast_in_dim3A_342 : f32 to vector<512x1xf32>
      %swap3A_344 = arith.constant 0 : index
      %swap3A_345 = arith.constant 0 : index
      %swap3A_346 = vector.load %arg10[%swap3A_344, %swap3A_345] : memref<512x1xf32, #tpu.memory_space<vmem>>, vector<512x1xf32>
      tpu.vector_store %arg10[%swap3A_344, %swap3A_345], %broadcast_in_dim3A_343 {strides = array<i32>} : memref<512x1xf32, #tpu.memory_space<vmem>>, vector<512x1xf32>,
      %broadcast_in_dim3A_347 = arith.constant 0.000000e+00 : f32
      %broadcast_in_dim3A_348 = vector.broadcast %broadcast_in_dim3A_347 : f32 to vector<512x1xf32>
      %swap3A_349 = arith.constant 0 : index
      %swap3A_350 = arith.constant 0 : index
      %swap3A_351 = vector.load %arg11[%swap3A_349, %swap3A_350] : memref<512x1xf32, #tpu.memory_space<vmem>>, vector<512x1xf32>
      tpu.vector_store %arg11[%swap3A_349, %swap3A_350], %broadcast_in_dim3A_348 {strides = array<i32>} : memref<512x1xf32, #tpu.memory_space<vmem>>, vector<512x1xf32>,
      %broadcast_in_dim3A_352 = arith.constant 0xFF800000 : f32
      %broadcast_in_dim3A_353 = vector.broadcast %broadcast_in_dim3A_352 : f32 to vector<512x1xf32>
      %swap3A_354 = arith.constant 0 : index
      %swap3A_355 = arith.constant 0 : index
      %swap3A_356 = vector.load %arg12[%swap3A_354, %swap3A_355] : memref<512x1xf32, #tpu.memory_space<vmem>>, vector<512x1xf32>
      tpu.vector_store %arg12[%swap3A_354, %swap3A_355], %broadcast_in_dim3A_353 {strides = array<i32>} : memref<512x1xf32, #tpu.memory_space<vmem>>, vector<512x1xf32>,
      %broadcast_in_dim3A_357 = arith.constant 0 : i32
      %broadcast_in_dim3A_358 = vector.broadcast %broadcast_in_dim3A_357 : i32 to vector<512x1xi32>
      %swap3A_359 = arith.constant 0 : index
      %swap3A_360 = arith.constant 0 : index
      %swap3A_361 = vector.load %arg13[%swap3A_359, %swap3A_360] : memref<512x1xi32, #tpu.memory_space<vmem>>, vector<512x1xi32>
      tpu.vector_store %arg13[%swap3A_359, %swap3A_360], %broadcast_in_dim3A_358 {strides = array<i32>} : memref<512x1xi32, #tpu.memory_space<vmem>>, vector<512x1xi32>,
    } else {
    }
    %get3A = arith.constant 0 : index
    %get3A_2 = arith.constant 0 : index
    %get3A_3 = vector.load %arg5[%get3A, %get3A_2] : memref<512x256xf32, #tpu.memory_space<vmem>>, vector<512x256xf32>
    %convert_element_type3A_4 = arith.truncf %get3A_3 : vector<512x256xf32> to vector<512x256xbf16>
    %get3A_5 = arith.constant 0 : index
    %get3A_6 = arith.constant 0 : index
    %get3A_7 = vector.load %arg6[%get3A_5, %get3A_6] : memref<1024x256xf32, #tpu.memory_space<vmem>>, vector<1024x256xf32>
    %convert_element_type3A_8 = arith.truncf %get3A_7 : vector<1024x256xf32> to vector<1024x256xbf16>
    %dot_general3A = arith.constant dense<0.000000e+00> : vector<512x1024xf32>
    %dot_general3A_9 = tpu.matmul %convert_element_type3A_4, %convert_element_type3A_8, %dot_general3A {dimension_numbers = #tpu.dot_dimension_numbers<[1], [1], [0], [0], [0, 0, 1, 0], [], []>, transpose_lhs_hint = false} : vector<512x256xbf16>, vector<1024x256xbf16>, vector<512x1024xf32> -> vector<512x1024xf32>
    %get3A_10 = arith.constant 0 : index
    %get3A_11 = arith.constant 0 : index
    %get3A_12 = vector.load %arg3[%get3A_10, %get3A_11] : memref<512x1xf32, #tpu.memory_space<vmem>>, vector<512x1xf32>
    %get3A_13 = arith.constant 0 : index
    %get3A_14 = arith.constant 0 : index
    %get3A_15 = vector.load %arg4[%get3A_13, %get3A_14] : memref<1x1024xf32, #tpu.memory_space<vmem>>, vector<1x1024xf32>
    %add3A = vector.broadcast %get3A_12 : vector<512x1xf32> to vector<512x1024xf32>
    %add3A_16 = vector.broadcast %get3A_15 : vector<1x1024xf32> to vector<512x1024xf32>
    %add3A_17 = arith.addf %add3A, %add3A_16 : vector<512x1024xf32>
    %mul3A = arith.constant 2.000000e+00 : f32
    %mul3A_18 = vector.broadcast %mul3A : f32 to vector<512x1024xf32>
    %mul3A_19 = arith.mulf %mul3A_18, %dot_general3A_9 : vector<512x1024xf32>
    %sub3A = arith.subf %add3A_17, %mul3A_19 : vector<512x1024xf32>
    %get3A_20 = arith.constant 0 : index
    %get3A_21 = memref.load %arg2[%get3A_20] : memref<1xi32, #tpu.memory_space<smem>>
    %mul3A_22 = arith.constant 512 : i32
    %mul3A_23 = arith.muli %arg0, %mul3A_22 : i32
    %add3A_24 = arith.addi %get3A_21, %mul3A_23 : i32
    %mul3A_25 = arith.constant 8192 : i32
    %mul3A_26 = arith.muli %add3A_24, %mul3A_25 : i32
    %mul3A_27 = arith.constant 1024 : i32
    %mul3A_28 = arith.muli %arg1, %mul3A_27 : i32
    %add3A_29 = arith.addi %mul3A_26, %mul3A_28 : i32
    %add3A_30 = arith.constant 42 : i32
    %add3A_31 = arith.addi %add3A_29, %add3A_30 : i32
    %iota3A = tpu.iota {dimensions = array<i32: 0>} : vector<512x1024xi32>
    %iota3A_32 = tpu.iota {dimensions = array<i32: 1>} : vector<512x1024xi32>
    %mul3A_33 = arith.constant 8192 : i32
    %mul3A_34 = vector.broadcast %mul3A_33 : i32 to vector<512x1024xi32>
    %mul3A_35 = arith.muli %iota3A, %mul3A_34 : vector<512x1024xi32>
    %add3A_36 = arith.addi %mul3A_35, %iota3A_32 : vector<512x1024xi32>
    %add3A_37 = vector.broadcast %add3A_31 : i32 to vector<512x1024xi32>
    %add3A_38 = arith.addi %add3A_36, %add3A_37 : vector<512x1024xi32>
    %shift_left3A = arith.constant 13 : i32
    %shift_left3A_39 = vector.broadcast %shift_left3A : i32 to vector<512x1024xi32>
    %shift_left3A_40 = arith.shli %add3A_38, %shift_left3A_39 : vector<512x1024xi32>
    %shift_right_logical3A = arith.constant 19 : i32
    %shift_right_logical3A_41 = vector.broadcast %shift_right_logical3A : i32 to vector<512x1024xi32>
    %shift_right_logical3A_42 = arith.shrui %add3A_38, %shift_right_logical3A_41 : vector<512x1024xi32>
    %or3A = arith.ori %shift_left3A_40, %shift_right_logical3A_42 : vector<512x1024xi32>
    %xor3A = arith.xori %or3A, %add3A_38 : vector<512x1024xi32>
    %add3A_43 = arith.addi %add3A_38, %xor3A : vector<512x1024xi32>
    %shift_left3A_44 = arith.constant 15 : i32
    %shift_left3A_45 = vector.broadcast %shift_left3A_44 : i32 to vector<512x1024xi32>
    %shift_left3A_46 = arith.shli %xor3A, %shift_left3A_45 : vector<512x1024xi32>
    %shift_right_logical3A_47 = arith.constant 17 : i32
    %shift_right_logical3A_48 = vector.broadcast %shift_right_logical3A_47 : i32 to vector<512x1024xi32>
    %shift_right_logical3A_49 = arith.shrui %xor3A, %shift_right_logical3A_48 : vector<512x1024xi32>
    %or3A_50 = arith.ori %shift_left3A_46, %shift_right_logical3A_49 : vector<512x1024xi32>
    %xor3A_51 = arith.xori %or3A_50, %add3A_43 : vector<512x1024xi32>
    %add3A_52 = arith.addi %add3A_43, %xor3A_51 : vector<512x1024xi32>
    %shift_left3A_53 = arith.constant 26 : i32
    %shift_left3A_54 = vector.broadcast %shift_left3A_53 : i32 to vector<512x1024xi32>
    %shift_left3A_55 = arith.shli %xor3A_51, %shift_left3A_54 : vector<512x1024xi32>
    %shift_right_logical3A_56 = arith.constant 6 : i32
    %shift_right_logical3A_57 = vector.broadcast %shift_right_logical3A_56 : i32 to vector<512x1024xi32>
    %shift_right_logical3A_58 = arith.shrui %xor3A_51, %shift_right_logical3A_57 : vector<512x1024xi32>
    %or3A_59 = arith.ori %shift_left3A_55, %shift_right_logical3A_58 : vector<512x1024xi32>
    %xor3A_60 = arith.xori %or3A_59, %add3A_52 : vector<512x1024xi32>
    %add3A_61 = arith.addi %add3A_52, %xor3A_60 : vector<512x1024xi32>
    %shift_left3A_62 = arith.constant 6 : i32
    %shift_left3A_63 = vector.broadcast %shift_left3A_62 : i32 to vector<512x1024xi32>
    %shift_left3A_64 = arith.shli %xor3A_60, %shift_left3A_63 : vector<512x1024xi32>
    %shift_right_logical3A_65 = arith.constant 26 : i32
    %shift_right_logical3A_66 = vector.broadcast %shift_right_logical3A_65 : i32 to vector<512x1024xi32>
    %shift_right_logical3A_67 = arith.shrui %xor3A_60, %shift_right_logical3A_66 : vector<512x1024xi32>
    %or3A_68 = arith.ori %shift_left3A_64, %shift_right_logical3A_67 : vector<512x1024xi32>
    %xor3A_69 = arith.xori %or3A_68, %add3A_61 : vector<512x1024xi32>
    %add3A_70 = arith.constant 42 : i32
    %add3A_71 = vector.broadcast %add3A_70 : i32 to vector<512x1024xi32>
    %add3A_72 = arith.addi %add3A_61, %add3A_71 : vector<512x1024xi32>
    %add3A_73 = arith.constant 466689009 : i32
    %add3A_74 = vector.broadcast %add3A_73 : i32 to vector<512x1024xi32>
    %add3A_75 = arith.addi %xor3A_69, %add3A_74 : vector<512x1024xi32>
    %add3A_76 = arith.addi %add3A_72, %add3A_75 : vector<512x1024xi32>
    %shift_left3A_77 = arith.constant 17 : i32
    %shift_left3A_78 = vector.broadcast %shift_left3A_77 : i32 to vector<512x1024xi32>
    %shift_left3A_79 = arith.shli %add3A_75, %shift_left3A_78 : vector<512x1024xi32>
    %shift_right_logical3A_80 = arith.constant 15 : i32
    %shift_right_logical3A_81 = vector.broadcast %shift_right_logical3A_80 : i32 to vector<512x1024xi32>
    %shift_right_logical3A_82 = arith.shrui %add3A_75, %shift_right_logical3A_81 : vector<512x1024xi32>
    %or3A_83 = arith.ori %shift_left3A_79, %shift_right_logical3A_82 : vector<512x1024xi32>
    %xor3A_84 = arith.xori %or3A_83, %add3A_76 : vector<512x1024xi32>
    %add3A_85 = arith.addi %add3A_76, %xor3A_84 : vector<512x1024xi32>
    %shift_left3A_86 = arith.constant 29 : i32
    %shift_left3A_87 = vector.broadcast %shift_left3A_86 : i32 to vector<512x1024xi32>
    %shift_left3A_88 = arith.shli %xor3A_84, %shift_left3A_87 : vector<512x1024xi32>
    %shift_right_logical3A_89 = arith.constant 3 : i32
    %shift_right_logical3A_90 = vector.broadcast %shift_right_logical3A_89 : i32 to vector<512x1024xi32>
    %shift_right_logical3A_91 = arith.shrui %xor3A_84, %shift_right_logical3A_90 : vector<512x1024xi32>
    %or3A_92 = arith.ori %shift_left3A_88, %shift_right_logical3A_91 : vector<512x1024xi32>
    %xor3A_93 = arith.xori %or3A_92, %add3A_85 : vector<512x1024xi32>
    %add3A_94 = arith.addi %add3A_85, %xor3A_93 : vector<512x1024xi32>
    %shift_left3A_95 = arith.constant 16 : i32
    %shift_left3A_96 = vector.broadcast %shift_left3A_95 : i32 to vector<512x1024xi32>
    %shift_left3A_97 = arith.shli %xor3A_93, %shift_left3A_96 : vector<512x1024xi32>
    %shift_right_logical3A_98 = arith.constant 16 : i32
    %shift_right_logical3A_99 = vector.broadcast %shift_right_logical3A_98 : i32 to vector<512x1024xi32>
    %shift_right_logical3A_100 = arith.shrui %xor3A_93, %shift_right_logical3A_99 : vector<512x1024xi32>
    %or3A_101 = arith.ori %shift_left3A_97, %shift_right_logical3A_100 : vector<512x1024xi32>
    %xor3A_102 = arith.xori %or3A_101, %add3A_94 : vector<512x1024xi32>
    %add3A_103 = arith.addi %add3A_94, %xor3A_102 : vector<512x1024xi32>
    %shift_left3A_104 = arith.constant 24 : i32
    %shift_left3A_105 = vector.broadcast %shift_left3A_104 : i32 to vector<512x1024xi32>
    %shift_left3A_106 = arith.shli %xor3A_102, %shift_left3A_105 : vector<512x1024xi32>
    %shift_right_logical3A_107 = arith.constant 8 : i32
    %shift_right_logical3A_108 = vector.broadcast %shift_right_logical3A_107 : i32 to vector<512x1024xi32>
    %shift_right_logical3A_109 = arith.shrui %xor3A_102, %shift_right_logical3A_108 : vector<512x1024xi32>
    %or3A_110 = arith.ori %shift_left3A_106, %shift_right_logical3A_109 : vector<512x1024xi32>
    %xor3A_111 = arith.xori %or3A_110, %add3A_103 : vector<512x1024xi32>
    %add3A_112 = arith.constant 466689008 : i32
    %add3A_113 = vector.broadcast %add3A_112 : i32 to vector<512x1024xi32>
    %add3A_114 = arith.addi %add3A_103, %add3A_113 : vector<512x1024xi32>
    %add3A_115 = arith.constant 2 : i32
    %add3A_116 = vector.broadcast %add3A_115 : i32 to vector<512x1024xi32>
    %add3A_117 = arith.addi %xor3A_111, %add3A_116 : vector<512x1024xi32>
    %add3A_118 = arith.addi %add3A_114, %add3A_117 : vector<512x1024xi32>
    %shift_left3A_119 = arith.constant 13 : i32
    %shift_left3A_120 = vector.broadcast %shift_left3A_119 : i32 to vector<512x1024xi32>
    %shift_left3A_121 = arith.shli %add3A_117, %shift_left3A_120 : vector<512x1024xi32>
    %shift_right_logical3A_122 = arith.constant 19 : i32
    %shift_right_logical3A_123 = vector.broadcast %shift_right_logical3A_122 : i32 to vector<512x1024xi32>
    %shift_right_logical3A_124 = arith.shrui %add3A_117, %shift_right_logical3A_123 : vector<512x1024xi32>
    %or3A_125 = arith.ori %shift_left3A_121, %shift_right_logical3A_124 : vector<512x1024xi32>
    %xor3A_126 = arith.xori %or3A_125, %add3A_118 : vector<512x1024xi32>
    %add3A_127 = arith.addi %add3A_118, %xor3A_126 : vector<512x1024xi32>
    %shift_left3A_128 = arith.constant 15 : i32
    %shift_left3A_129 = vector.broadcast %shift_left3A_128 : i32 to vector<512x1024xi32>
    %shift_left3A_130 = arith.shli %xor3A_126, %shift_left3A_129 : vector<512x1024xi32>
    %shift_right_logical3A_131 = arith.constant 17 : i32
    %shift_right_logical3A_132 = vector.broadcast %shift_right_logical3A_131 : i32 to vector<512x1024xi32>
    %shift_right_logical3A_133 = arith.shrui %xor3A_126, %shift_right_logical3A_132 : vector<512x1024xi32>
    %or3A_134 = arith.ori %shift_left3A_130, %shift_right_logical3A_133 : vector<512x1024xi32>
    %xor3A_135 = arith.xori %or3A_134, %add3A_127 : vector<512x1024xi32>
    %add3A_136 = arith.addi %add3A_127, %xor3A_135 : vector<512x1024xi32>
    %shift_left3A_137 = arith.constant 26 : i32
    %shift_left3A_138 = vector.broadcast %shift_left3A_137 : i32 to vector<512x1024xi32>
    %shift_left3A_139 = arith.shli %xor3A_135, %shift_left3A_138 : vector<512x1024xi32>
    %shift_right_logical3A_140 = arith.constant 6 : i32
    %shift_right_logical3A_141 = vector.broadcast %shift_right_logical3A_140 : i32 to vector<512x1024xi32>
    %shift_right_logical3A_142 = arith.shrui %xor3A_135, %shift_right_logical3A_141 : vector<512x1024xi32>
    %or3A_143 = arith.ori %shift_left3A_139, %shift_right_logical3A_142 : vector<512x1024xi32>
    %xor3A_144 = arith.xori %or3A_143, %add3A_136 : vector<512x1024xi32>
    %add3A_145 = arith.addi %add3A_136, %xor3A_144 : vector<512x1024xi32>
    %shift_left3A_146 = arith.constant 6 : i32
    %shift_left3A_147 = vector.broadcast %shift_left3A_146 : i32 to vector<512x1024xi32>
    %shift_left3A_148 = arith.shli %xor3A_144, %shift_left3A_147 : vector<512x1024xi32>
    %shift_right_logical3A_149 = arith.constant 26 : i32
    %shift_right_logical3A_150 = vector.broadcast %shift_right_logical3A_149 : i32 to vector<512x1024xi32>
    %shift_right_logical3A_151 = arith.shrui %xor3A_144, %shift_right_logical3A_150 : vector<512x1024xi32>
    %or3A_152 = arith.ori %shift_left3A_148, %shift_right_logical3A_151 : vector<512x1024xi32>
    %xor3A_153 = arith.xori %or3A_152, %add3A_145 : vector<512x1024xi32>
    %add3A_154 = arith.constant 45 : i32
    %add3A_155 = vector.broadcast %add3A_154 : i32 to vector<512x1024xi32>
    %add3A_156 = arith.addi %xor3A_153, %add3A_155 : vector<512x1024xi32>
    %add3A_157 = arith.addi %add3A_145, %add3A_156 : vector<512x1024xi32>
    %shift_left3A_158 = arith.constant 17 : i32
    %shift_left3A_159 = vector.broadcast %shift_left3A_158 : i32 to vector<512x1024xi32>
    %shift_left3A_160 = arith.shli %add3A_156, %shift_left3A_159 : vector<512x1024xi32>
    %shift_right_logical3A_161 = arith.constant 15 : i32
    %shift_right_logical3A_162 = vector.broadcast %shift_right_logical3A_161 : i32 to vector<512x1024xi32>
    %shift_right_logical3A_163 = arith.shrui %add3A_156, %shift_right_logical3A_162 : vector<512x1024xi32>
    %or3A_164 = arith.ori %shift_left3A_160, %shift_right_logical3A_163 : vector<512x1024xi32>
    %xor3A_165 = arith.xori %or3A_164, %add3A_157 : vector<512x1024xi32>
    %add3A_166 = arith.addi %add3A_157, %xor3A_165 : vector<512x1024xi32>
    %shift_left3A_167 = arith.constant 29 : i32
    %shift_left3A_168 = vector.broadcast %shift_left3A_167 : i32 to vector<512x1024xi32>
    %shift_left3A_169 = arith.shli %xor3A_165, %shift_left3A_168 : vector<512x1024xi32>
    %shift_right_logical3A_170 = arith.constant 3 : i32
    %shift_right_logical3A_171 = vector.broadcast %shift_right_logical3A_170 : i32 to vector<512x1024xi32>
    %shift_right_logical3A_172 = arith.shrui %xor3A_165, %shift_right_logical3A_171 : vector<512x1024xi32>
    %or3A_173 = arith.ori %shift_left3A_169, %shift_right_logical3A_172 : vector<512x1024xi32>
    %xor3A_174 = arith.xori %or3A_173, %add3A_166 : vector<512x1024xi32>
    %add3A_175 = arith.addi %add3A_166, %xor3A_174 : vector<512x1024xi32>
    %shift_left3A_176 = arith.constant 16 : i32
    %shift_left3A_177 = vector.broadcast %shift_left3A_176 : i32 to vector<512x1024xi32>
    %shift_left3A_178 = arith.shli %xor3A_174, %shift_left3A_177 : vector<512x1024xi32>
    %shift_right_logical3A_179 = arith.constant 16 : i32
    %shift_right_logical3A_180 = vector.broadcast %shift_right_logical3A_179 : i32 to vector<512x1024xi32>
    %shift_right_logical3A_181 = arith.shrui %xor3A_174, %shift_right_logical3A_180 : vector<512x1024xi32>
    %or3A_182 = arith.ori %shift_left3A_178, %shift_right_logical3A_181 : vector<512x1024xi32>
    %xor3A_183 = arith.xori %or3A_182, %add3A_175 : vector<512x1024xi32>
    %add3A_184 = arith.addi %add3A_175, %xor3A_183 : vector<512x1024xi32>
    %shift_left3A_185 = arith.constant 24 : i32
    %shift_left3A_186 = vector.broadcast %shift_left3A_185 : i32 to vector<512x1024xi32>
    %shift_left3A_187 = arith.shli %xor3A_183, %shift_left3A_186 : vector<512x1024xi32>
    %shift_right_logical3A_188 = arith.constant 8 : i32
    %shift_right_logical3A_189 = vector.broadcast %shift_right_logical3A_188 : i32 to vector<512x1024xi32>
    %shift_right_logical3A_190 = arith.shrui %xor3A_183, %shift_right_logical3A_189 : vector<512x1024xi32>
    %or3A_191 = arith.ori %shift_left3A_187, %shift_right_logical3A_190 : vector<512x1024xi32>
    %xor3A_192 = arith.xori %or3A_191, %add3A_184 : vector<512x1024xi32>
    %add3A_193 = arith.constant 42 : i32
    %add3A_194 = vector.broadcast %add3A_193 : i32 to vector<512x1024xi32>
    %add3A_195 = arith.addi %add3A_184, %add3A_194 : vector<512x1024xi32>
    %add3A_196 = arith.constant 466689012 : i32
    %add3A_197 = vector.broadcast %add3A_196 : i32 to vector<512x1024xi32>
    %add3A_198 = arith.addi %xor3A_192, %add3A_197 : vector<512x1024xi32>
    %add3A_199 = arith.addi %add3A_195, %add3A_198 : vector<512x1024xi32>
    %shift_left3A_200 = arith.constant 13 : i32
    %shift_left3A_201 = vector.broadcast %shift_left3A_200 : i32 to vector<512x1024xi32>
    %shift_left3A_202 = arith.shli %add3A_198, %shift_left3A_201 : vector<512x1024xi32>
    %shift_right_logical3A_203 = arith.constant 19 : i32
    %shift_right_logical3A_204 = vector.broadcast %shift_right_logical3A_203 : i32 to vector<512x1024xi32>
    %shift_right_logical3A_205 = arith.shrui %add3A_198, %shift_right_logical3A_204 : vector<512x1024xi32>
    %or3A_206 = arith.ori %shift_left3A_202, %shift_right_logical3A_205 : vector<512x1024xi32>
    %xor3A_207 = arith.xori %or3A_206, %add3A_199 : vector<512x1024xi32>
    %add3A_208 = arith.addi %add3A_199, %xor3A_207 : vector<512x1024xi32>
    %shift_left3A_209 = arith.constant 15 : i32
    %shift_left3A_210 = vector.broadcast %shift_left3A_209 : i32 to vector<512x1024xi32>
    %shift_left3A_211 = arith.shli %xor3A_207, %shift_left3A_210 : vector<512x1024xi32>
    %shift_right_logical3A_212 = arith.constant 17 : i32
    %shift_right_logical3A_213 = vector.broadcast %shift_right_logical3A_212 : i32 to vector<512x1024xi32>
    %shift_right_logical3A_214 = arith.shrui %xor3A_207, %shift_right_logical3A_213 : vector<512x1024xi32>
    %or3A_215 = arith.ori %shift_left3A_211, %shift_right_logical3A_214 : vector<512x1024xi32>
    %xor3A_216 = arith.xori %or3A_215, %add3A_208 : vector<512x1024xi32>
    %add3A_217 = arith.addi %add3A_208, %xor3A_216 : vector<512x1024xi32>
    %shift_left3A_218 = arith.constant 26 : i32
    %shift_left3A_219 = vector.broadcast %shift_left3A_218 : i32 to vector<512x1024xi32>
    %shift_left3A_220 = arith.shli %xor3A_216, %shift_left3A_219 : vector<512x1024xi32>
    %shift_right_logical3A_221 = arith.constant 6 : i32
    %shift_right_logical3A_222 = vector.broadcast %shift_right_logical3A_221 : i32 to vector<512x1024xi32>
    %shift_right_logical3A_223 = arith.shrui %xor3A_216, %shift_right_logical3A_222 : vector<512x1024xi32>
    %or3A_224 = arith.ori %shift_left3A_220, %shift_right_logical3A_223 : vector<512x1024xi32>
    %xor3A_225 = arith.xori %or3A_224, %add3A_217 : vector<512x1024xi32>
    %add3A_226 = arith.addi %add3A_217, %xor3A_225 : vector<512x1024xi32>
    %shift_left3A_227 = arith.constant 6 : i32
    %shift_left3A_228 = vector.broadcast %shift_left3A_227 : i32 to vector<512x1024xi32>
    %shift_left3A_229 = arith.shli %xor3A_225, %shift_left3A_228 : vector<512x1024xi32>
    %shift_right_logical3A_230 = arith.constant 26 : i32
    %shift_right_logical3A_231 = vector.broadcast %shift_right_logical3A_230 : i32 to vector<512x1024xi32>
    %shift_right_logical3A_232 = arith.shrui %xor3A_225, %shift_right_logical3A_231 : vector<512x1024xi32>
    %or3A_233 = arith.ori %shift_left3A_229, %shift_right_logical3A_232 : vector<512x1024xi32>
    %xor3A_234 = arith.xori %or3A_233, %add3A_226 : vector<512x1024xi32>
    %add3A_235 = arith.constant 466689008 : i32
    %add3A_236 = vector.broadcast %add3A_235 : i32 to vector<512x1024xi32>
    %add3A_237 = arith.addi %add3A_226, %add3A_236 : vector<512x1024xi32>
    %add3A_238 = arith.constant 5 : i32
    %add3A_239 = vector.broadcast %add3A_238 : i32 to vector<512x1024xi32>
    %add3A_240 = arith.addi %xor3A_234, %add3A_239 : vector<512x1024xi32>
    %xor3A_241 = arith.xori %add3A_237, %add3A_240 : vector<512x1024xi32>
    %shift_right_logical3A_242 = arith.constant 9 : i32
    %shift_right_logical3A_243 = vector.broadcast %shift_right_logical3A_242 : i32 to vector<512x1024xi32>
    %shift_right_logical3A_244 = arith.shrui %xor3A_241, %shift_right_logical3A_243 : vector<512x1024xi32>
    %or3A_245 = arith.constant 1065353216 : i32
    %or3A_246 = vector.broadcast %or3A_245 : i32 to vector<512x1024xi32>
    %or3A_247 = arith.ori %shift_right_logical3A_244, %or3A_246 : vector<512x1024xi32>
    %bitcast_convert_type3A = tpu.bitcast %or3A_247 : vector<512x1024xi32> -> vector<512x1024xf32>
    %sub3A_248 = arith.constant 1.000000e+00 : f32
    %sub3A_249 = vector.broadcast %sub3A_248 : f32 to vector<512x1024xf32>
    %sub3A_250 = arith.subf %bitcast_convert_type3A, %sub3A_249 : vector<512x1024xf32>
    %add3A_251 = arith.constant 1.17549435E-38 : f32
    %add3A_252 = vector.broadcast %add3A_251 : f32 to vector<512x1024xf32>
    %add3A_253 = arith.addf %sub3A_250, %add3A_252 : vector<512x1024xf32>
    %max3A = arith.constant 1.17549435E-38 : f32
    %max3A_254 = vector.broadcast %max3A : f32 to vector<512x1024xf32>
    %max3A_255 = arith.maximumf %max3A_254, %add3A_253 : vector<512x1024xf32>
    %log3A = math.log %max3A_255 : vector<512x1024xf32>
    %neg3A = arith.constant 0.000000e+00 : f32
    %neg3A_256 = vector.broadcast %neg3A : f32 to vector<512x1024xf32>
    %neg3A_257 = arith.subf %neg3A_256, %log3A : vector<512x1024xf32>
    %log3A_258 = math.log %neg3A_257 : vector<512x1024xf32>
    %neg3A_259 = arith.constant 0.000000e+00 : f32
    %neg3A_260 = vector.broadcast %neg3A_259 : f32 to vector<512x1024xf32>
    %neg3A_261 = arith.subf %neg3A_260, %log3A_258 : vector<512x1024xf32>
    %sub3A_262 = arith.subf %neg3A_261, %sub3A : vector<512x1024xf32>
    %reduce_max3A = arith.constant dense<0xFF800000> : vector<512xf32>
    %reduce_max3A_263 = vector.multi_reduction <maximumf>, %sub3A_262, %reduce_max3A [1] : vector<512x1024xf32> to vector<512xf32>
    %broadcast_in_dim3A = vector.shape_cast %reduce_max3A_263 : vector<512xf32> to vector<512x1xf32>
    %iota3A_264 = tpu.iota {dimensions = array<i32: 1>} : vector<512x1024xi32>
    %mul3A_265 = arith.constant 1024 : i32
    %mul3A_266 = arith.muli %arg1, %mul3A_265 : i32
    %add3A_267 = vector.broadcast %mul3A_266 : i32 to vector<512x1024xi32>
    %add3A_268 = arith.addi %iota3A_264, %add3A_267 : vector<512x1024xi32>
    %eq3A_269 = vector.broadcast %broadcast_in_dim3A : vector<512x1xf32> to vector<512x1024xf32>
    %eq3A_270 = arith.cmpf oeq, %sub3A_262, %eq3A_269 : vector<512x1024xf32>
    %jit3A = arith.constant 1073741824 : i32
    %broadcast_in_dim3A_271 = vector.broadcast %jit3A : i32 to vector<512x1024xi32>
    %select_n3A = arith.select %eq3A_270, %add3A_268, %broadcast_in_dim3A_271 : vector<512x1024xi1>, vector<512x1024xi32>
    %reduce_min3A = arith.constant dense<2147483647> : vector<512xi32>
    %reduce_min3A_272 = vector.multi_reduction <minsi>, %select_n3A, %reduce_min3A [1] : vector<512x1024xi32> to vector<512xi32>
    %broadcast_in_dim3A_273 = vector.shape_cast %reduce_min3A_272 : vector<512xi32> to vector<512x1xi32>
    %get3A_274 = arith.constant 0 : index
    %get3A_275 = arith.constant 0 : index
    %get3A_276 = vector.load %arg12[%get3A_274, %get3A_275] : memref<512x1xf32, #tpu.memory_space<vmem>>, vector<512x1xf32>
    %gt3A = arith.cmpf ogt, %broadcast_in_dim3A, %get3A_276 : vector<512x1xf32>
    %get3A_277 = arith.constant 0 : index
    %get3A_278 = arith.constant 0 : index
    %get3A_279 = vector.load %arg12[%get3A_277, %get3A_278] : memref<512x1xf32, #tpu.memory_space<vmem>>, vector<512x1xf32>
    %select_n3A_280 = arith.select %gt3A, %broadcast_in_dim3A, %get3A_279 : vector<512x1xi1>, vector<512x1xf32>
    %swap3A = arith.constant 0 : index
    %swap3A_281 = arith.constant 0 : index
    %swap3A_282 = vector.load %arg12[%swap3A, %swap3A_281] : memref<512x1xf32, #tpu.memory_space<vmem>>, vector<512x1xf32>
    tpu.vector_store %arg12[%swap3A, %swap3A_281], %select_n3A_280 {strides = array<i32>} : memref<512x1xf32, #tpu.memory_space<vmem>>, vector<512x1xf32>,
    %get3A_283 = arith.constant 0 : index
    %get3A_284 = arith.constant 0 : index
    %get3A_285 = vector.load %arg13[%get3A_283, %get3A_284] : memref<512x1xi32, #tpu.memory_space<vmem>>, vector<512x1xi32>
    %select_n3A_286 = arith.select %gt3A, %broadcast_in_dim3A_273, %get3A_285 : vector<512x1xi1>, vector<512x1xi32>
    %swap3A_287 = arith.constant 0 : index
    %swap3A_288 = arith.constant 0 : index
    %swap3A_289 = vector.load %arg13[%swap3A_287, %swap3A_288] : memref<512x1xi32, #tpu.memory_space<vmem>>, vector<512x1xi32>
    tpu.vector_store %arg13[%swap3A_287, %swap3A_288], %select_n3A_286 {strides = array<i32>} : memref<512x1xi32, #tpu.memory_space<vmem>>, vector<512x1xi32>,
    %mul3A_290 = arith.constant -2.000000e+00 : f32
    %mul3A_291 = vector.broadcast %mul3A_290 : f32 to vector<512x1024xf32>
    %mul3A_292 = arith.mulf %mul3A_291, %sub3A : vector<512x1024xf32>
    %reduce_max3A_293 = arith.constant dense<0xFF800000> : vector<512xf32>
    %reduce_max3A_294 = vector.multi_reduction <maximumf>, %mul3A_292, %reduce_max3A_293 [1] : vector<512x1024xf32> to vector<512xf32>
    %broadcast_in_dim3A_295 = vector.shape_cast %reduce_max3A_294 : vector<512xf32> to vector<512x1xf32>
    %get3A_296 = arith.constant 0 : index
    %get3A_297 = arith.constant 0 : index
    %get3A_298 = vector.load %arg9[%get3A_296, %get3A_297] : memref<512x1xf32, #tpu.memory_space<vmem>>, vector<512x1xf32>
    %max3A_299 = arith.maximumf %get3A_298, %broadcast_in_dim3A_295 : vector<512x1xf32>
    %sub3A_300 = arith.subf %get3A_298, %max3A_299 : vector<512x1xf32>
    %exp3A = math.exp %sub3A_300 : vector<512x1xf32>
    %sub3A_301 = vector.broadcast %max3A_299 : vector<512x1xf32> to vector<512x1024xf32>
    %sub3A_302 = arith.subf %mul3A_292, %sub3A_301 : vector<512x1024xf32>
    %exp3A_303 = math.exp %sub3A_302 : vector<512x1024xf32>
    %reduce_sum3A = arith.constant dense<0.000000e+00> : vector<512xf32>
    %reduce_sum3A_304 = vector.multi_reduction <add>, %exp3A_303, %reduce_sum3A [1] : vector<512x1024xf32> to vector<512xf32>
    %broadcast_in_dim3A_305 = vector.shape_cast %reduce_sum3A_304 : vector<512xf32> to vector<512x1xf32>
    %mul3A_306 = arith.mulf %sub3A_302, %exp3A_303 : vector<512x1024xf32>
    %reduce_sum3A_307 = arith.constant dense<0.000000e+00> : vector<512xf32>
    %reduce_sum3A_308 = vector.multi_reduction <add>, %mul3A_306, %reduce_sum3A_307 [1] : vector<512x1024xf32> to vector<512xf32>
    %broadcast_in_dim3A_309 = vector.shape_cast %reduce_sum3A_308 : vector<512xf32> to vector<512x1xf32>
    %get3A_310 = arith.constant 0 : index
    %get3A_311 = arith.constant 0 : index
    %get3A_312 = vector.load %arg10[%get3A_310, %get3A_311] : memref<512x1xf32, #tpu.memory_space<vmem>>, vector<512x1xf32>
    %get3A_313 = arith.constant 0 : index
    %get3A_314 = arith.constant 0 : index
    %get3A_315 = vector.load %arg11[%get3A_313, %get3A_314] : memref<512x1xf32, #tpu.memory_space<vmem>>, vector<512x1xf32>
    %sub3A_316 = arith.subf %get3A_298, %max3A_299 : vector<512x1xf32>
    %mul3A_317 = arith.mulf %sub3A_316, %get3A_312 : vector<512x1xf32>
    %add3A_318 = arith.addf %get3A_315, %mul3A_317 : vector<512x1xf32>
    %mul3A_319 = arith.mulf %add3A_318, %exp3A : vector<512x1xf32>
    %add3A_320 = arith.addf %mul3A_319, %broadcast_in_dim3A_309 : vector<512x1xf32>
    %swap3A_321 = arith.constant 0 : index
    %swap3A_322 = arith.constant 0 : index
    %swap3A_323 = vector.load %arg11[%swap3A_321, %swap3A_322] : memref<512x1xf32, #tpu.memory_space<vmem>>, vector<512x1xf32>
    tpu.vector_store %arg11[%swap3A_321, %swap3A_322], %add3A_320 {strides = array<i32>} : memref<512x1xf32, #tpu.memory_space<vmem>>, vector<512x1xf32>,
    %mul3A_324 = arith.mulf %get3A_312, %exp3A : vector<512x1xf32>
    %add3A_325 = arith.addf %mul3A_324, %broadcast_in_dim3A_305 : vector<512x1xf32>
    %swap3A_326 = arith.constant 0 : index
    %swap3A_327 = arith.constant 0 : index
    %swap3A_328 = vector.load %arg10[%swap3A_326, %swap3A_327] : memref<512x1xf32, #tpu.memory_space<vmem>>, vector<512x1xf32>
    tpu.vector_store %arg10[%swap3A_326, %swap3A_327], %add3A_325 {strides = array<i32>} : memref<512x1xf32, #tpu.memory_space<vmem>>, vector<512x1xf32>,
    %swap3A_329 = arith.constant 0 : index
    %swap3A_330 = arith.constant 0 : index
    %swap3A_331 = vector.load %arg9[%swap3A_329, %swap3A_330] : memref<512x1xf32, #tpu.memory_space<vmem>>, vector<512x1xf32>
    tpu.vector_store %arg9[%swap3A_329, %swap3A_330], %max3A_299 {strides = array<i32>} : memref<512x1xf32, #tpu.memory_space<vmem>>, vector<512x1xf32>,
    %eq3A_332 = arith.constant 7 : i32
    %eq3A_333 = arith.cmpi eq, %arg1, %eq3A_332 : i32
    %convert_element_type3A_334 = arith.extui %eq3A_333 : i1 to i32
    %cond3A_335 = arith.constant 0 : i32
    %cond3A_336 = arith.cmpi ne, %convert_element_type3A_334, %cond3A_335 : i32
    scf.if %cond3A_336 {
      %get3A_337 = arith.constant 0 : index
      %get3A_338 = arith.constant 0 : index
      %get3A_339 = vector.load %arg10[%get3A_337, %get3A_338] : memref<512x1xf32, #tpu.memory_space<vmem>>, vector<512x1xf32>
      %get3A_340 = arith.constant 0 : index
      %get3A_341 = arith.constant 0 : index
      %get3A_342 = vector.load %arg11[%get3A_340, %get3A_341] : memref<512x1xf32, #tpu.memory_space<vmem>>, vector<512x1xf32>
      %div3A = arith.divf %get3A_342, %get3A_339 : vector<512x1xf32>
      %log3A_343 = math.log %get3A_339 : vector<512x1xf32>
      %sub3A_344 = arith.subf %div3A, %log3A_343 : vector<512x1xf32>
      %swap3A_345 = arith.constant 0 : index
      %swap3A_346 = arith.constant 0 : index
      %swap3A_347 = vector.load %arg7[%swap3A_345, %swap3A_346] : memref<512x1xf32, #tpu.memory_space<vmem>>, vector<512x1xf32>
      tpu.vector_store %arg7[%swap3A_345, %swap3A_346], %sub3A_344 {strides = array<i32>} : memref<512x1xf32, #tpu.memory_space<vmem>>, vector<512x1xf32>,
      %get3A_348 = arith.constant 0 : index
      %get3A_349 = arith.constant 0 : index
      %get3A_350 = vector.load %arg13[%get3A_348, %get3A_349] : memref<512x1xi32, #tpu.memory_space<vmem>>, vector<512x1xi32>
      %swap3A_351 = arith.constant 0 : index
      %swap3A_352 = arith.constant 0 : index
      %swap3A_353 = vector.load %arg8[%swap3A_351, %swap3A_352] : memref<512x1xi32, #tpu.memory_space<vmem>>, vector<512x1xi32>
      tpu.vector_store %arg8[%swap3A_351, %swap3A_352], %get3A_350 {strides = array<i32>} : memref<512x1xi32, #tpu.memory_space<vmem>>, vector<512x1xi32>,
    } else {
    }
    return
  }
  func.func @transform_0(%arg0: i32, %arg1: i32) -> i32 {
    %c0_i32 = arith.constant 0 : i32
    %c0_i32_0 = arith.constant 0 : i32
    return %c0_i32 : i32
  }
  func.func @transform_1(%arg0: i32, %arg1: i32) -> (i32, i32) {
    %c0_i32 = arith.constant 0 : i32
    %c0_i32_0 = arith.constant 0 : i32
    return %arg0, %c0_i32 : i32, i32
  }
  func.func @transform_2(%arg0: i32, %arg1: i32) -> (i32, i32) {
    %c0_i32 = arith.constant 0 : i32
    %c0_i32_0 = arith.constant 0 : i32
    return %c0_i32, %arg1 : i32, i32
  }
  func.func @transform_3(%arg0: i32, %arg1: i32) -> (i32, i32) {
    %c0_i32 = arith.constant 0 : i32
    %c0_i32_0 = arith.constant 0 : i32
    return %arg0, %c0_i32 : i32, i32
  }
  func.func @transform_4(%arg0: i32, %arg1: i32) -> (i32, i32) {
    %c0_i32 = arith.constant 0 : i32
    %c0_i32_0 = arith.constant 0 : i32
    return %arg1, %c0_i32 : i32, i32
  }
  func.func @transform_5(%arg0: i32, %arg1: i32) -> (i32, i32) {
    %c0_i32 = arith.constant 0 : i32
    %c0_i32_0 = arith.constant 0 : i32
    return %arg0, %c0_i32 : i32, i32
  }
  func.func @transform_6(%arg0: i32, %arg1: i32) -> (i32, i32) {
    %c0_i32 = arith.constant 0 : i32
    %c0_i32_0 = arith.constant 0 : i32
    return %arg0, %c0_i32 : i32, i32
  }
}

module attributes {stable_mosaic.version = 14 : i64} {
  func.func @_onehot_body(%arg0: i32, %arg1: i32, %arg2: memref<512x1xi32, #tpu.memory_space<vmem>>, %arg3: memref<512x1xf32, #tpu.memory_space<vmem>>, %arg4: memref<512x2048xf32, #tpu.memory_space<vmem>>, %arg5: memref<1x2048xf32, #tpu.memory_space<vmem>>, %arg6: memref<1x1xf32, #tpu.memory_space<vmem>>, %arg7: memref<1x2048xf32, #tpu.memory_space<vmem>>, %arg8: memref<1x1xf32, #tpu.memory_space<vmem>>) attributes {dimension_semantics = [#tpu.dimension_semantics<arbitrary>, #tpu.dimension_semantics<arbitrary>], iteration_bounds = array<i64: 4, 9>, scalar_prefetch = 0 : i64, scratch_operands = 2 : i64, tpu.core_type = #tpu.core_type<tc>, window_params = [{transform_indices = @transform_0, window_bounds = array<i64: 512, 1>}, {transform_indices = @transform_1, window_bounds = array<i64: 512, 1>}, {transform_indices = @transform_2, window_bounds = array<i64: 512, 2048>}, {transform_indices = @transform_3, window_bounds = array<i64: 1, 2048>}, {pipeline_mode = #tpu.pipeline_mode<synchronous>, transform_indices = @transform_4, window_bounds = array<i64: 1, 1>}]} {
    %get3A = arith.constant 0 : index
    %get3A_0 = arith.constant 0 : index
    %get3A_1 = vector.load %arg2[%get3A, %get3A_0] : memref<512x1xi32, #tpu.memory_space<vmem>>, vector<512x1xi32>
    %iota3A = tpu.iota {dimensions = array<i32: 1>} : vector<512x2048xi32>
    %mul3A = arith.constant 2048 : i32
    %mul3A_2 = arith.muli %arg0, %mul3A : i32
    %add3A = vector.broadcast %mul3A_2 : i32 to vector<512x2048xi32>
    %add3A_3 = arith.addi %iota3A, %add3A : vector<512x2048xi32>
    %eq3A = vector.broadcast %get3A_1 : vector<512x1xi32> to vector<512x2048xi32>
    %eq3A_4 = arith.cmpi eq, %add3A_3, %eq3A : vector<512x2048xi32>
    %convert_element_type3A = arith.extui %eq3A_4 : vector<512x2048xi1> to vector<512x2048xi32>
    %convert_element_type3A_5 = arith.sitofp %convert_element_type3A : vector<512x2048xi32> to vector<512x2048xf32>
    %swap3A = arith.constant 0 : index
    %swap3A_6 = arith.constant 0 : index
    %swap3A_7 = vector.load %arg4[%swap3A, %swap3A_6] : memref<512x2048xf32, #tpu.memory_space<vmem>>, vector<512x2048xf32>
    tpu.vector_store %arg4[%swap3A, %swap3A_6], %convert_element_type3A_5 {strides = array<i32>} : memref<512x2048xf32, #tpu.memory_space<vmem>>, vector<512x2048xf32>,
    %eq3A_8 = arith.constant 0 : i32
    %eq3A_9 = arith.cmpi eq, %arg1, %eq3A_8 : i32
    %convert_element_type3A_10 = arith.extui %eq3A_9 : i1 to i32
    %cond3A = arith.constant 0 : i32
    %cond3A_11 = arith.cmpi ne, %convert_element_type3A_10, %cond3A : i32
    scf.if %cond3A_11 {
      %broadcast_in_dim3A_30 = arith.constant 0.000000e+00 : f32
      %broadcast_in_dim3A_31 = vector.broadcast %broadcast_in_dim3A_30 : f32 to vector<1x2048xf32>
      %swap3A_32 = arith.constant 0 : index
      %swap3A_33 = arith.constant 0 : index
      %swap3A_34 = vector.load %arg7[%swap3A_32, %swap3A_33] : memref<1x2048xf32, #tpu.memory_space<vmem>>, vector<1x2048xf32>
      tpu.vector_store %arg7[%swap3A_32, %swap3A_33], %broadcast_in_dim3A_31 {strides = array<i32>} : memref<1x2048xf32, #tpu.memory_space<vmem>>, vector<1x2048xf32>,
    } else {
    }
    %get3A_12 = arith.constant 0 : index
    %get3A_13 = arith.constant 0 : index
    %get3A_14 = vector.load %arg7[%get3A_12, %get3A_13] : memref<1x2048xf32, #tpu.memory_space<vmem>>, vector<1x2048xf32>
    %reduce_sum3A = arith.constant dense<0.000000e+00> : vector<2048xf32>
    %reduce_sum3A_15 = vector.multi_reduction <add>, %convert_element_type3A_5, %reduce_sum3A [0] : vector<512x2048xf32> to vector<2048xf32>
    %broadcast_in_dim3A = vector.shape_cast %reduce_sum3A_15 : vector<2048xf32> to vector<1x2048xf32>
    %add3A_16 = arith.addf %get3A_14, %broadcast_in_dim3A : vector<1x2048xf32>
    %swap3A_17 = arith.constant 0 : index
    %swap3A_18 = arith.constant 0 : index
    %swap3A_19 = vector.load %arg7[%swap3A_17, %swap3A_18] : memref<1x2048xf32, #tpu.memory_space<vmem>>, vector<1x2048xf32>
    tpu.vector_store %arg7[%swap3A_17, %swap3A_18], %add3A_16 {strides = array<i32>} : memref<1x2048xf32, #tpu.memory_space<vmem>>, vector<1x2048xf32>,
    %eq3A_20 = arith.constant 0 : i32
    %eq3A_21 = arith.cmpi eq, %arg0, %eq3A_20 : i32
    %convert_element_type3A_22 = arith.extui %eq3A_21 : i1 to i32
    %cond3A_23 = arith.constant 0 : i32
    %cond3A_24 = arith.cmpi ne, %convert_element_type3A_22, %cond3A_23 : i32
    scf.if %cond3A_24 {
      %eq3A_30 = arith.constant 0 : i32
      %eq3A_31 = arith.cmpi eq, %arg1, %eq3A_30 : i32
      %convert_element_type3A_32 = arith.extui %eq3A_31 : i1 to i32
      %cond3A_33 = arith.constant 0 : i32
      %cond3A_34 = arith.cmpi ne, %convert_element_type3A_32, %cond3A_33 : i32
      scf.if %cond3A_34 {
        %broadcast_in_dim3A_51 = arith.constant 0.000000e+00 : f32
        %broadcast_in_dim3A_52 = vector.broadcast %broadcast_in_dim3A_51 : f32 to vector<1x1xf32>
        %swap3A_53 = arith.constant 0 : index
        %swap3A_54 = arith.constant 0 : index
        %swap3A_55 = vector.load %arg8[%swap3A_53, %swap3A_54] : memref<1x1xf32, #tpu.memory_space<vmem>>, vector<1x1xf32>
        tpu.vector_store %arg8[%swap3A_53, %swap3A_54], %broadcast_in_dim3A_52 {strides = array<i32>} : memref<1x1xf32, #tpu.memory_space<vmem>>, vector<1x1xf32>,
      } else {
      }
      %get3A_35 = arith.constant 0 : index
      %get3A_36 = arith.constant 0 : index
      %get3A_37 = vector.load %arg8[%get3A_35, %get3A_36] : memref<1x1xf32, #tpu.memory_space<vmem>>, vector<1x1xf32>
      %get3A_38 = arith.constant 0 : index
      %get3A_39 = arith.constant 0 : index
      %get3A_40 = vector.load %arg3[%get3A_38, %get3A_39] : memref<512x1xf32, #tpu.memory_space<vmem>>, vector<512x1xf32>
      %reduce_sum3A_41 = vector.shape_cast %get3A_40 : vector<512x1xf32> to vector<1x512x1xf32>
      %reduce_sum3A_42 = arith.constant dense<0.000000e+00> : vector<1xf32>
      %reduce_sum3A_43 = vector.multi_reduction <add>, %reduce_sum3A_41, %reduce_sum3A_42 [1, 2] : vector<1x512x1xf32> to vector<1xf32>
      %reduce_sum3A_44 = vector.shape_cast %reduce_sum3A_43 : vector<1xf32> to vector<1x1x1xf32>
      %reduce_sum3A_45 = vector.extract %reduce_sum3A_44[0, 0, 0] : f32 from vector<1x1x1xf32>
      %add3A_46 = vector.broadcast %reduce_sum3A_45 : f32 to vector<1x1xf32>
      %add3A_47 = arith.addf %get3A_37, %add3A_46 : vector<1x1xf32>
      %swap3A_48 = arith.constant 0 : index
      %swap3A_49 = arith.constant 0 : index
      %swap3A_50 = vector.load %arg8[%swap3A_48, %swap3A_49] : memref<1x1xf32, #tpu.memory_space<vmem>>, vector<1x1xf32>
      tpu.vector_store %arg8[%swap3A_48, %swap3A_49], %add3A_47 {strides = array<i32>} : memref<1x1xf32, #tpu.memory_space<vmem>>, vector<1x1xf32>,
    } else {
    }
    %eq3A_25 = arith.constant 8 : i32
    %eq3A_26 = arith.cmpi eq, %arg1, %eq3A_25 : i32
    %convert_element_type3A_27 = arith.extui %eq3A_26 : i1 to i32
    %cond3A_28 = arith.constant 0 : i32
    %cond3A_29 = arith.cmpi ne, %convert_element_type3A_27, %cond3A_28 : i32
    scf.if %cond3A_29 {
      %get3A_30 = arith.constant 0 : index
      %get3A_31 = arith.constant 0 : index
      %get3A_32 = vector.load %arg7[%get3A_30, %get3A_31] : memref<1x2048xf32, #tpu.memory_space<vmem>>, vector<1x2048xf32>
      %swap3A_33 = arith.constant 0 : index
      %swap3A_34 = arith.constant 0 : index
      %swap3A_35 = vector.load %arg5[%swap3A_33, %swap3A_34] : memref<1x2048xf32, #tpu.memory_space<vmem>>, vector<1x2048xf32>
      tpu.vector_store %arg5[%swap3A_33, %swap3A_34], %get3A_32 {strides = array<i32>} : memref<1x2048xf32, #tpu.memory_space<vmem>>, vector<1x2048xf32>,
      %get3A_36 = arith.constant 0 : index
      %get3A_37 = arith.constant 0 : index
      %get3A_38 = vector.load %arg8[%get3A_36, %get3A_37] : memref<1x1xf32, #tpu.memory_space<vmem>>, vector<1x1xf32>
      %swap3A_39 = arith.constant 0 : index
      %swap3A_40 = arith.constant 0 : index
      %swap3A_41 = vector.load %arg6[%swap3A_39, %swap3A_40] : memref<1x1xf32, #tpu.memory_space<vmem>>, vector<1x1xf32>
      tpu.vector_store %arg6[%swap3A_39, %swap3A_40], %get3A_38 {strides = array<i32>} : memref<1x1xf32, #tpu.memory_space<vmem>>, vector<1x1xf32>,
    } else {
    }
    return
  }
  func.func @transform_0(%arg0: i32, %arg1: i32) -> (i32, i32) {
    %c0_i32 = arith.constant 0 : i32
    %c0_i32_0 = arith.constant 0 : i32
    return %arg1, %c0_i32 : i32, i32
  }
  func.func @transform_1(%arg0: i32, %arg1: i32) -> (i32, i32) {
    %c0_i32 = arith.constant 0 : i32
    %c0_i32_0 = arith.constant 0 : i32
    return %arg1, %c0_i32 : i32, i32
  }
  func.func @transform_2(%arg0: i32, %arg1: i32) -> (i32, i32) {
    %c0_i32 = arith.constant 0 : i32
    return %arg1, %arg0 : i32, i32
  }
  func.func @transform_3(%arg0: i32, %arg1: i32) -> (i32, i32) {
    %c0_i32 = arith.constant 0 : i32
    %c0_i32_0 = arith.constant 0 : i32
    return %c0_i32, %arg0 : i32, i32
  }
  func.func @transform_4(%arg0: i32, %arg1: i32) -> (i32, i32) {
    %c0_i32 = arith.constant 0 : i32
    %c0_i32_0 = arith.constant 0 : i32
    %c0_i32_1 = arith.constant 0 : i32
    return %c0_i32, %c0_i32_0 : i32, i32
  }
}

module attributes {stable_mosaic.version = 14 : i64} {
  func.func @_finalize_body(%arg0: memref<1x8192xf32, #tpu.memory_space<vmem>>, %arg1: memref<1x1xf32, #tpu.memory_space<vmem>>, %arg2: memref<1x1xf32, #tpu.memory_space<vmem>>, %arg3: memref<1x1xf32, #tpu.memory_space<vmem>>) attributes {dimension_semantics = [], scalar_prefetch = 0 : i64, scratch_operands = 0 : i64, tpu.core_type = #tpu.core_type<tc>} {
    %get3A = arith.constant 0 : index
    %get3A_0 = arith.constant 0 : index
    %get3A_1 = vector.load %arg0[%get3A, %get3A_0] : memref<1x8192xf32, #tpu.memory_space<vmem>>, vector<1x8192xf32>
    %div3A = arith.constant 4.608000e+03 : f32
    %div3A_2 = vector.broadcast %div3A : f32 to vector<1x8192xf32>
    %div3A_3 = arith.divf %get3A_1, %div3A_2 : vector<1x8192xf32>
    %add3A = arith.constant 1.000000e-10 : f32
    %add3A_4 = vector.broadcast %add3A : f32 to vector<1x8192xf32>
    %add3A_5 = arith.addf %div3A_3, %add3A_4 : vector<1x8192xf32>
    %log3A = math.log %add3A_5 : vector<1x8192xf32>
    %mul3A = arith.mulf %div3A_3, %log3A : vector<1x8192xf32>
    %reduce_sum3A = arith.constant dense<0.000000e+00> : vector<1xf32>
    %reduce_sum3A_6 = vector.multi_reduction <add>, %mul3A, %reduce_sum3A [1] : vector<1x8192xf32> to vector<1xf32>
    %broadcast_in_dim3A = vector.shape_cast %reduce_sum3A_6 : vector<1xf32> to vector<1x1xf32>
    %get3A_7 = arith.constant 0 : index
    %get3A_8 = arith.constant 0 : index
    %get3A_9 = vector.load %arg1[%get3A_7, %get3A_8] : memref<1x1xf32, #tpu.memory_space<vmem>>, vector<1x1xf32>
    %div3A_10 = arith.constant 4.608000e+03 : f32
    %div3A_11 = vector.broadcast %div3A_10 : f32 to vector<1x1xf32>
    %div3A_12 = arith.divf %get3A_9, %div3A_11 : vector<1x1xf32>
    %mul3A_13 = arith.constant 2.500000e-01 : f32
    %mul3A_14 = vector.broadcast %mul3A_13 : f32 to vector<1x1xf32>
    %mul3A_15 = arith.mulf %mul3A_14, %div3A_12 : vector<1x1xf32>
    %swap3A = arith.constant 0 : index
    %swap3A_16 = arith.constant 0 : index
    %swap3A_17 = vector.load %arg2[%swap3A, %swap3A_16] : memref<1x1xf32, #tpu.memory_space<vmem>>, vector<1x1xf32>
    tpu.vector_store %arg2[%swap3A, %swap3A_16], %mul3A_15 {strides = array<i32>} : memref<1x1xf32, #tpu.memory_space<vmem>>, vector<1x1xf32>,
    %neg3A = arith.constant 0.000000e+00 : f32
    %neg3A_18 = vector.broadcast %neg3A : f32 to vector<1x1xf32>
    %neg3A_19 = arith.subf %neg3A_18, %broadcast_in_dim3A : vector<1x1xf32>
    %exp3A = math.exp %neg3A_19 : vector<1x1xf32>
    %swap3A_20 = arith.constant 0 : index
    %swap3A_21 = arith.constant 0 : index
    %swap3A_22 = vector.load %arg3[%swap3A_20, %swap3A_21] : memref<1x1xf32, #tpu.memory_space<vmem>>, vector<1x1xf32>
    tpu.vector_store %arg3[%swap3A_20, %swap3A_21], %exp3A {strides = array<i32>} : memref<1x1xf32, #tpu.memory_space<vmem>>, vector<1x1xf32>,
    return
  }
}

</mosaic_0001>

<sc_bundles>
// kernel: kernel.6.cloned.1.call-start
scs
__scs_entry_jumppad:
0x0: {  	(pc) =	sbr.rel $0x88, $3  }
0x1: {  	(tag) =	ssettag $0x0;
	lr =	simm.s32 $0x1  }
0x2: {  	[smem:$0x3F9F] =	sst lr;
	_ =	strace $0xD0000000  }
0x3: {  	_ = 	snop  }
0x4: {  	_ = 	snop  }
0x5: {  	_ = 	snop  }
0x6: {  	_ = 	snop  }
0x7: {  	_ = 	snop  }
__scs_overlays_trampoline_lowered:
0x8: {  	[smem:$0x3FAE] =	sst s0  }
0x9: {  	[smem:$0x3FAF] =	sst s1  }
0xa: {  	[smem:$0x3FB0] =	sst s2  }
0xb: {  	[smem:$0x3FB1] =	sst s3  }
0xc: {  	[smem:$0x3FB2] =	sst s4  }
0xd: {  	[smem:$0x3FB3] =	sst s5  }
0xe: {  	[smem:$0x3FB4] =	sst s6  }
0xf: {  	[smem:$0x3FB5] =	sst s7  }
0x10: {  	[smem:$0x3FB6] =	sst s8  }
0x11: {  	[smem:$0x3FB7] =	sst s9;
	s0 =	simm.s32 @!p0 $0x0  }
0x12: {  	s1 =	sld [smem:$0x3F9D];
	s0 =	simm.s32 @p0 $0x1  }
0x13: {  	[smem:$0x3FB8] =	sst s0;
	s0 =	simm.s32 @!p1 $0x0  }
0x14: {  	s2 =	sld [smem:$0x3F9C];
	s0 =	simm.s32 @p1 $0x1  }
0x15: {  	[smem:$0x3FB9] =	sst s0;
	s0 =	simm.s32 @!p2 $0x0  }
0x16: {  	s3 =	sld [smem:$0x3FDB];
	s0 =	simm.s32 @p2 $0x1  }
0x17: {  	s4 =	simm.s32 $0x1BF5;
	[smem:$0x3FBB] =	sst s0  }
0x18: {  	s0 =	sld [smem:$0x3F9E];
	_ =	swait.ge [sflag:s4], $0x0  }
0x19: {  	s7 =	sld [smem:$0x3F9F]  }
0x1a: {  	s8 =	sadd.s32 $0xFFFFE003, lr  }
0x1b: {  	s9 =	sadd.s32 $0xFFFFFEF7, lr;
	s5 =	simm.s32 $0xFFFFFFFF;
	p2 =	slt.u32 s8, $0xFFFFF086  }
0x1c: {  	p1 =	slt.u32 s9, $0xF7A;
	s5 =	simm.s32 @!p2 $0x0  }
0x1d: {  	s5 =	simm.s32 @p1 $0x1;
	p0 =	seq.s32 s7, s2  }
0x1e: {  	s7 =	smul.u32 @!p0 $0xF7A, s2;
	p2 =	seq.s32 @!p0 s5, $0x0  }
0x1f: {  	s9 =	smul.u32 $0xF7A, s1;
	s8 =	simm.s32 @!p0 $0x1BF5;
	p2 =	por !p2, p0  }
0x20: {  	[sflag:s8] =	ssyncset.s32 @!p0 $0xFFFFF086;
	s6 =	sadd.s32 @!p0 s3, s7;
	s7 =	simm.s32 @!p0 $0x108  }
0x21: {  	s3 =	sadd.s32 s3, s9;
	s6 =	sadd.s32 @!p0 $0x88, s6;
	s7 =	simm.s32 @p2 $0x1082  }
0x22: {  	[simem:s7], [sflag:s8] =	dma.local @!p0 [hbm:s6], $0xF7A  }
0x23: {  	s9 =	sor.u32 $0xD0000000, s2;
	s6 =	simm.s32 $0x108;
	_ =	swait.ge @!p0 [sflag:s8], $0x0  }
0x24: {  	s3 =	sadd.s32 $0x88, s3;
	s6 =	simm.s32 @!p1 $0x1082;
	[sflag:s4] =	ssyncset.s32 $0xFFFFF086  }
0x25: {  	[simem:s6], [sflag:s4] =	dma.local [hbm:s3], $0xF7A  }
0x26: {  	[smem:$0x3F9F] =	sst s1;
	(tag) =	ssettag s2;
	_ =	strace s9  }
0x27: {  	s1 =	sld [smem:$0x3FAF]  }
0x28: {  	s2 =	sld [smem:$0x3FB0]  }
0x29: {  	s4 =	sld [smem:$0x3FB2]  }
0x2a: {  	p0 =	seq.s32 s5, $0x0;
	s5 =	sld [smem:$0x3FB3]  }
0x2b: {  	s6 =	sld [smem:$0x3FB4]  }
0x2c: {  	s7 =	sld [smem:$0x3FB5]  }
0x2d: {  	s3 =	simm.s32 $0x108;
	s8 =	sld [smem:$0x3FB6]  }
0x2e: {  	s3 =	simm.s32 @!p0 $0x1082;
	s9 =	sld [smem:$0x3FB7]  }
0x2f: {  	lr =	sadd.s32 s0, s3;
	s0 =	sld [smem:$0x3FAE]  }
0x30: {  	s3 =	sld [smem:$0x3FB1]  }
0x31: {  	[smem:$0x3FBA] =	sst s10  }
0x32: {  	s10 =	sld [smem:$0x3FB8];
	_ =	sdelay $0x3  }
0x33: {  	p0 =	seq.s32 s10, $0x1;
	s10 =	sld [smem:$0x3FBA];
	_ =	sdelay $0x3  }
0x34: {  	[smem:$0x3FBA] =	sst s10  }
0x35: {  	s10 =	sld [smem:$0x3FB9];
	_ =	sdelay $0x3  }
0x36: {  	p1 =	seq.s32 s10, $0x1;
	s10 =	sld [smem:$0x3FBA];
	_ =	sdelay $0x3  }
0x37: {  	[smem:$0x3FBA] =	sst s10  }
0x38: {  	s10 =	sld [smem:$0x3FBB]  }
0x39: {  	_ = 	snop;
	(pc) =	sbr.ind lr, $3  }
0x3a: {  	_ = 	snop  }
0x3b: {  	_ = 	snop  }
0x3c: {  	p2 =	seq.s32 s10, $0x1;
	s10 =	sld [smem:$0x3FBA]  }
0x3d: {  	_ =	shalt  }
0x3e: {  	_ =	shalt  }
0x3f: {  	_ =	shalt  }
0x40: {  	_ =	shalt  }
0x41: {  	_ =	shalt  }
0x42: {  	_ =	shalt  }
0x43: {  	_ =	shalt  }
0x44: {  	_ =	shalt  }
0x45: {  	_ =	shalt  }
0x46: {  	_ =	shalt  }
0x47: {  	_ =	shalt  }
0x48: {  	_ =	shalt  }
0x49: {  	_ =	shalt  }
0x4a: {  	_ =	shalt  }
0x4b: {  	_ =	shalt  }
0x4c: {  	_ =	shalt  }
0x4d: {  	_ =	shalt  }
0x4e: {  	_ =	shalt  }
0x4f: {  	_ =	shalt  }
0x50: {  	_ =	shalt  }
0x51: {  	_ =	shalt  }
0x52: {  	_ =	shalt  }
0x53: {  	_ =	shalt  }
0x54: {  	_ =	shalt  }
0x55: {  	_ =	shalt  }
0x56: {  	_ =	shalt  }
0x57: {  	_ =	shalt  }
0x58: {  	_ =	shalt  }
0x59: {  	_ =	shalt  }
0x5a: {  	_ =	shalt  }
0x5b: {  	_ =	shalt  }
0x5c: {  	_ =	shalt  }
0x5d: {  	_ =	shalt  }
0x5e: {  	_ =	shalt  }
0x5f: {  	_ =	shalt  }
0x60: {  	_ =	shalt  }
0x61: {  	_ =	shalt  }
0x62: {  	_ =	shalt  }
0x63: {  	_ =	shalt  }
0x64: {  	_ =	shalt  }
0x65: {  	_ =	shalt  }
0x66: {  	_ =	shalt  }
0x67: {  	_ =	shalt  }
0x68: {  	_ =	shalt  }
0x69: {  	_ =	shalt  }
0x6a: {  	_ =	shalt  }
0x6b: {  	_ =	shalt  }
0x6c: {  	_ =	shalt  }
0x6d: {  	_ =	shalt  }
0x6e: {  	_ =	shalt  }
0x6f: {  	_ =	shalt  }
0x70: {  	_ =	shalt  }
0x71: {  	_ =	shalt  }
0x72: {  	_ =	shalt  }
0x73: {  	_ =	shalt  }
0x74: {  	_ =	shalt  }
0x75: {  	_ =	shalt  }
0x76: {  	_ =	shalt  }
0x77: {  	_ =	shalt  }
0x78: {  	_ =	shalt  }
0x79: {  	_ =	shalt  }
0x7a: {  	_ =	shalt  }
0x7b: {  	_ =	shalt  }
0x7c: {  	_ =	shalt  }
0x7d: {  	_ =	shalt  }
0x7e: {  	_ =	shalt  }
0x7f: {  	_ =	shalt  }
0x80: {  	_ =	shalt  }
0x81: {  	_ =	shalt  }
0x82: {  	_ =	shalt  }
0x83: {  	_ =	shalt  }
0x84: {  	_ =	shalt  }
0x85: {  	_ =	shalt  }
0x86: {  	_ =	shalt  }
0x87: {  	_ =	shalt  }
.Lfunc_end0:
.L_simem_size_0:
called_computation_lowered:
.L_overlay_start_0:
0x88: {  	s2 =	sld [smem:$0x3FD9]  }
0x89: {  	s3 =	sld [smem:$0x3FFE];
	_ =	sdelay $0x1  }
0x8a: {  	s1 =	srdreg.scid  }
0x8b: {  	s0 =	sand.u32 $0x1, s1  }
0x8c: {  	s14 =	sshll.u32 s0, $0xA;
	s2 =	sadd.s32 s3, s2  }
0x8d: {  	s2 =	sadd.s32 s2, s14  }
0x8e: {  	[smem:$0x3FC6] =	sst s2  }
0x8f: {  	_ = 	snop  }
0x90: {  	s2 =	sld [smem:$0x3FD0];
	_ =	sdelay $0x2  }
0x91: {  	s4 =	simm.s32 $0xA;
	s5 =	simm.s32 $0x10;
	s15 =	sld [smem:$0x3FC8]  }
0x92: {  	[smem:s5], [sflag:s4] =	dma.local [hbm:s2], $0x1  }
0x93: {  	_ =	swait.eq [sflag:s4], $0x1  }
0x94: {  	[sflag:s4] =	ssyncset.done $0x0  }
0x95: {  	[sflag:s4] =	ssyncadd.s32 $0xFFFFFFFF  }
0x96: {  	s16 =	sld [smem:$0x11];
	(tm) =	ssettm $0x1  }
0x97: {  	s17 =	sld [smem:$0x3FFB];
	_ =	sdelay $0x3  }
0x98: {  	_ =	strace s17  }
0x99: {  	s4 =	sld [smem:$0x3FFC];
	_ =	sdelay $0x3  }
0x9a: {  	_ =	strace s4  }
0x9b: {  	s4 =	sld [smem:$0x3FFD];
	_ =	sdelay $0x3  }
0x9c: {  	_ =	strace s4  }
0x9d: {  	_ =	strace $0x8FFFFFFF  }
0x9e: {  	s18 =	sld [smem:$0x3FDB];
	_ =	sdelay $0x1  }
0x9f: {  	s19 =	simm.s32 $_scs_section_size  }
0xa0: {  	s6 =	simm.s32 $_size__tile_overlayer_lowered;
	s7 =	simm.s32 $_tile_overlayer_lowered  }
0xa1: {  	s22 =	simm.s32 $0x1BFF;
	s21 =	sshll.u32 s7, $0x1;
	s4 =	sadd.s32 s19, s18  }
0xa2: {  	s8 =	simm.s32 $0x0;
	s20 =	sshll.u32 s6, $0x1;
	s6 =	sadd.s32 s21, s4  }
0xa3: {  	[timem:s8], [sflag:s22] =	dma.local [hbm:s6], s20  }
0xa4: {  	_ =	swait.ge [sflag:s22], s20  }
0xa5: {  	s5 =	ssub.s32 $0x0, s20;
	[sflag:s22] =	ssyncset.done $0x0  }
0xa6: {  	[sflag:s22] =	ssyncadd.s32 s5;
	_ =	sdelay $0x1  }
0xa7: {  	s23 =	simm.s32 $0x1B8B  }
0xa8: {  	_ =	swait.ge [sflag:s23], $0x1  }
0xa9: {  	[sflag:s23] =	ssyncset.done $0x0  }
0xaa: {  	s25 =	simm.s32 $0x1B8E;
	s24 =	sld [smem:$0x3FFE];
	[sflag:s23] =	ssyncadd.s32 $0xFFFFFFFF  }
0xab: {  	s26 =	simm.s32 $execute0_lowered;
	[smem:$0x3FD2] =	sst s25  }
0xac: {  	s6 =	sshll.u32 s26, $0x1;
	_ =	strace $0x80000046;
	[dreg:$0x1] =	wrdreg $0xFFFFFFFF  }
0xad: {  	s28 =	simm.s32 $_size_execute0_lowered;
	s4 =	sadd.s32 s4, s6;
	[dreg:$0x0] =	wrdreg $0x0  }
0xae: {  	s6 =	sshll.u32 s28, $0x1;
	[dreg:$0x2] =	wrdreg s4  }
0xaf: {  	[dreg:$0x3] =	wrdreg s6  }
0xb0: {  	[dreg:$0x4] =	wrdreg $0xC0  }
0xb1: {  	_ =	task [dreg:s8], $0x5FFFF  }
0xb2: {  	[dreg:$0x1] =	wrdreg $0xFFFFFFFF  }
0xb3: {  	[dreg:$0x0] =	wrdreg $0x60  }
0xb4: {  	[dreg:$0x2] =	wrdreg s15  }
0xb5: {  	[dreg:$0x3] =	wrdreg s24  }
0xb6: {  	[dreg:$0x4] =	wrdreg s16  }
0xb7: {  	[dreg:$0x5] =	wrdreg $0x9  }
0xb8: {  	_ =	task.clear_ibuf [dreg:s8], $0x6FFFF;
	_ =	strace $0x90000046  }
0xb9: {  	s29 =	simm.s32 $0x9;
	_ =	strace $0x80000048  }
0xba: {  	_ =	swait.ge [sflag:s29], $0x1  }
0xbb: {  	[sflag:s29] =	ssyncadd.s32 $0xFFFFFFFF  }
0xbc: {  	_ =	strace $0x90000048  }
0xbd: {  	_ =	sfence  }
0xbe: {  	s30 =	sld [smem:$0x0];
	_ =	sdelay $0x2  }
0xbf: {  	s31 =	sshll.u32 s1, $0xD;
	s1 =	sshrl.u32 s1, $0x2  }
0xc0: {  	s3 =	sand.u32 $0x4000, s31;
	s1 =	sadd.s32 s1, s30  }
0xc1: {  	s0 =	sor.u32 s3, s0;
	s1 =	sshll.u32 s1, $0x11  }
0xc2: {  	s0 =	sor.u32 s1, s0  }
0xc3: {  	s0 =	sadd.s32 $0x8F2B, s0  }
0xc4: {  	[sflag:s0] =	ssyncadd.remote.s32 $0x1  }
0xc5: {  	_ =	sfence.sel $0xFFFF  }
0xc6: {  	[dreg:$0x0] =	wrdreg $0xFFFFFFFF;
	(pc) =	sbr.abs _section_cstart, $3  }
0xc7: {  	[dreg:$0x1] =	wrdreg $0xFFFFFFFF  }
0xc8: {  	_ =	task.clear_ibuf [dreg:s8], $0x2FFFF;
	_ =	strace $0x9FFFFFFF  }
0xc9: {  	(tm) =	ssettm $0x7FFFFFFF  }
tec
execute0_lowered:
.L_overlay_start_1:
0x0: {  	(tag) =	ssettag $0x1  }
0x1: {  	s1 =	rddreg [dreg:$0x0]  }
0x2: {  	s2 =	srdreg.scid;
	s4 =	rddreg [dreg:$0x1]  }
0x3: {  	s0 =	stileid.u32;
	s6 =	rddreg [dreg:$0x2]  }
0x4: {  	s3 =	simm.s32 $0x0;
	s9 =	simm.s32 $0x900;
	s10 =	simm.s32 $0x1100  }
0x5: {  	s11 =	simm.s32 $0x1900;
	s12 =	simm.s32 $0x2100;
	s13 =	simm.s32 $0x2900  }
0x6: {  	s14 =	simm.s32 $0x3100;
	s15 =	simm.s32 $0x3900;
	s16 =	simm.s32 $0x4100  }
0x7: {  	s17 =	simm.s32 $0x4900;
	s18 =	simm.s32 $0x5100;
	s19 =	simm.s32 $0x5900  }
0x8: {  	s20 =	simm.s32 $0x6100;
	s21 =	simm.s32 $0x6900;
	s22 =	simm.s32 $0x7100  }
0x9: {  	s23 =	simm.s32 $0x7900;
	s5 =	sand.u32 $0x1, s2;
	s30 =	sshll.u32 s0, $0x1  }
0xa: {  	s24 =	simm.s32 $0x8100;
	s25 =	simm.s32 $0x8900;
	s7 =	sor.u32 s5, s30  }
0xb: {  	s26 =	simm.s32 $0x1;
	s2 =	rddreg [dreg:$0x3];
	s8 =	smul.u32 $0x12, s7  }
0xc: {  	[smem:$0x7FF] =	sst s3;
	s5 =	ssub.s32 $0x2, s5;
	s7 =	smul.u32 $0x1200, s7  }
0xd: {  	v2 =	vlaneseq.u32;
	_ =	strace $0x80000047;
	s31 =	sshrl.u32 s5, $0x1;
	s4 =	sadd.s32 s8, s4  }
0xe: {  	vm0 =	vmmov $0xffff;
	v1 =	vshrl.u32 v2, $0x3;
	s8 =	ssub.s32 s5, s31;
	s5 =	sadd.s32 s6, s7;
	s7 =	simm.s32 $0x2  }
0xf: {  	v0 =	vand.u32 $0x7, v2;
	v2 =	vor.u32 $0x8, v2;
	v1 =	vmul.u32 $0x8, v1;
	s4 =	sadd.s32 $0x400, s4;
	s6 =	smax.u32 s8, $0x1;
	s8 =	simm.s32 $0x100  }
.LBB2_1:
0x10: {  	[tilespmem:s3], [sflag:$0x2] =	stream.linear.gather [hbm4b:s4+s3], $0x90, $0x38;
	[tilespmem:$0x9100] =	vst v63  }
0x11: {  	_ =	swait.ge [sflag:s7], $0x90  }
0x12: {  	[sflag:s7] =	ssyncset.done $0x0  }
0x13: {  	[sflag:s7] =	ssyncadd.s32 $0xFFFFFF70  }
0x14: {  	v3 =	vld [tilespmem:$0x0];
	_ =	sdelay $0x4  }
0x15: {  	v4 =	vshll.u32 v3, $0x1  }
0x16: {  	v3 =	vand.u32 $0x7, v3;
	v4 =	vand.u32 $0xFFFFFFF0, v4  }
0x17: {  	v3 =	vor.u32 v3, v4  }
0x18: {  	v4 =	vperm.xlane v3, v0;
	_ =	sdelay $0x1  }
0x19: {  	v3 =	vperm.xlane v3, v2;
	v4 =	vadd.s32 v1, v4;
	_ =	sdelay $0x1  }
0x1a: {  	v3 =	vadd.s32 v1, v3;
	_ =	sdelay $0x2  }
0x1b: {  	[tilespmem:s8], [sflag:$0x1] =	stream.indirect_vreg.gather [hbm4b:s1+s3], $0x80, v4, vm0, $0xb8;
	[tilespmem:$0x9100] =	vst v63  }
0x1c: {  	_ = 	snop  }
0x1d: {  	[tilespmem:s9], [sflag:$0x1] =	stream.indirect_vreg.gather [hbm4b:s1+s3], $0x80, v3, vm0, $0xb8;
	[tilespmem:$0x9100] =	vst v63  }
0x1e: {  	v3 =	vld [tilespmem:$0x10];
	_ =	sdelay $0x4  }
0x1f: {  	v56 =	vshll.u32 v3, $0x1  }
0x20: {  	v3 =	vand.u32 $0x7, v3;
	v4 =	vand.u32 $0xFFFFFFF0, v56  }
0x21: {  	v3 =	vor.u32 v3, v4  }
0x22: {  	v4 =	vperm.xlane v3, v0;
	_ =	sdelay $0x1  }
0x23: {  	v3 =	vperm.xlane v3, v2;
	v4 =	vadd.s32 v1, v4;
	_ =	sdelay $0x1  }
0x24: {  	v3 =	vadd.s32 v1, v3;
	_ =	sdelay $0x2  }
0x25: {  	[tilespmem:s10], [sflag:$0x1] =	stream.indirect_vreg.gather [hbm4b:s1+s3], $0x80, v4, vm0, $0xb8;
	[tilespmem:$0x9100] =	vst v63  }
0x26: {  	_ = 	snop  }
0x27: {  	[tilespmem:s11], [sflag:$0x1] =	stream.indirect_vreg.gather [hbm4b:s1+s3], $0x80, v3, vm0, $0xb8;
	[tilespmem:$0x9100] =	vst v63  }
0x28: {  	v3 =	vld [tilespmem:$0x20];
	_ =	sdelay $0x4  }
0x29: {  	v57 =	vshll.u32 v3, $0x1  }
0x2a: {  	v3 =	vand.u32 $0x7, v3;
	v4 =	vand.u32 $0xFFFFFFF0, v57  }
0x2b: {  	v3 =	vor.u32 v3, v4  }
0x2c: {  	v4 =	vperm.xlane v3, v0;
	_ =	sdelay $0x1  }
0x2d: {  	v3 =	vperm.xlane v3, v2;
	v4 =	vadd.s32 v1, v4;
	_ =	sdelay $0x1  }
0x2e: {  	v3 =	vadd.s32 v1, v3;
	_ =	sdelay $0x2  }
0x2f: {  	[tilespmem:s12], [sflag:$0x1] =	stream.indirect_vreg.gather [hbm4b:s1+s3], $0x80, v4, vm0, $0xb8;
	[tilespmem:$0x9100] =	vst v63  }
0x30: {  	_ = 	snop  }
0x31: {  	[tilespmem:s13], [sflag:$0x1] =	stream.indirect_vreg.gather [hbm4b:s1+s3], $0x80, v3, vm0, $0xb8;
	[tilespmem:$0x9100] =	vst v63  }
0x32: {  	v3 =	vld [tilespmem:$0x30];
	_ =	sdelay $0x4  }
0x33: {  	v58 =	vshll.u32 v3, $0x1  }
0x34: {  	v3 =	vand.u32 $0x7, v3;
	v4 =	vand.u32 $0xFFFFFFF0, v58  }
0x35: {  	v3 =	vor.u32 v3, v4  }
0x36: {  	v4 =	vperm.xlane v3, v0;
	_ =	sdelay $0x1  }
0x37: {  	v3 =	vperm.xlane v3, v2;
	v4 =	vadd.s32 v1, v4;
	_ =	sdelay $0x1  }
0x38: {  	v3 =	vadd.s32 v1, v3;
	_ =	sdelay $0x2  }
0x39: {  	[tilespmem:s14], [sflag:$0x1] =	stream.indirect_vreg.gather [hbm4b:s1+s3], $0x80, v4, vm0, $0xb8;
	[tilespmem:$0x9100] =	vst v63  }
0x3a: {  	_ = 	snop  }
0x3b: {  	[tilespmem:s15], [sflag:$0x1] =	stream.indirect_vreg.gather [hbm4b:s1+s3], $0x80, v3, vm0, $0xb8;
	[tilespmem:$0x9100] =	vst v63  }
0x3c: {  	v3 =	vld [tilespmem:$0x40];
	_ =	sdelay $0x4  }
0x3d: {  	v59 =	vshll.u32 v3, $0x1  }
0x3e: {  	v3 =	vand.u32 $0x7, v3;
	v4 =	vand.u32 $0xFFFFFFF0, v59  }
0x3f: {  	v3 =	vor.u32 v3, v4  }
0x40: {  	v4 =	vperm.xlane v3, v0;
	_ =	sdelay $0x1  }
0x41: {  	v3 =	vperm.xlane v3, v2;
	v4 =	vadd.s32 v1, v4;
	_ =	sdelay $0x1  }
0x42: {  	v3 =	vadd.s32 v1, v3;
	_ =	sdelay $0x2  }
0x43: {  	[tilespmem:s16], [sflag:$0x1] =	stream.indirect_vreg.gather [hbm4b:s1+s3], $0x80, v4, vm0, $0xb8;
	[tilespmem:$0x9100] =	vst v63  }
0x44: {  	_ = 	snop  }
0x45: {  	[tilespmem:s17], [sflag:$0x1] =	stream.indirect_vreg.gather [hbm4b:s1+s3], $0x80, v3, vm0, $0xb8;
	[tilespmem:$0x9100] =	vst v63  }
0x46: {  	v3 =	vld [tilespmem:$0x50];
	_ =	sdelay $0x4  }
0x47: {  	v60 =	vshll.u32 v3, $0x1  }
0x48: {  	v3 =	vand.u32 $0x7, v3;
	v4 =	vand.u32 $0xFFFFFFF0, v60  }
0x49: {  	v3 =	vor.u32 v3, v4  }
0x4a: {  	v4 =	vperm.xlane v3, v0;
	_ =	sdelay $0x1  }
0x4b: {  	v3 =	vperm.xlane v3, v2;
	v4 =	vadd.s32 v1, v4;
	_ =	sdelay $0x1  }
0x4c: {  	v3 =	vadd.s32 v1, v3;
	_ =	sdelay $0x2  }
0x4d: {  	[tilespmem:s18], [sflag:$0x1] =	stream.indirect_vreg.gather [hbm4b:s1+s3], $0x80, v4, vm0, $0xb8;
	[tilespmem:$0x9100] =	vst v63  }
0x4e: {  	_ = 	snop  }
0x4f: {  	[tilespmem:s19], [sflag:$0x1] =	stream.indirect_vreg.gather [hbm4b:s1+s3], $0x80, v3, vm0, $0xb8;
	[tilespmem:$0x9100] =	vst v63  }
0x50: {  	v3 =	vld [tilespmem:$0x60];
	_ =	sdelay $0x4  }
0x51: {  	v61 =	vshll.u32 v3, $0x1  }
0x52: {  	v3 =	vand.u32 $0x7, v3;
	v4 =	vand.u32 $0xFFFFFFF0, v61  }
0x53: {  	v3 =	vor.u32 v3, v4  }
0x54: {  	v4 =	vperm.xlane v3, v0;
	_ =	sdelay $0x1  }
0x55: {  	v3 =	vperm.xlane v3, v2;
	v4 =	vadd.s32 v1, v4;
	_ =	sdelay $0x1  }
0x56: {  	v3 =	vadd.s32 v1, v3;
	_ =	sdelay $0x2  }
0x57: {  	[tilespmem:s20], [sflag:$0x1] =	stream.indirect_vreg.gather [hbm4b:s1+s3], $0x80, v4, vm0, $0xb8;
	[tilespmem:$0x9100] =	vst v63  }
0x58: {  	_ = 	snop  }
0x59: {  	[tilespmem:s21], [sflag:$0x1] =	stream.indirect_vreg.gather [hbm4b:s1+s3], $0x80, v3, vm0, $0xb8;
	[tilespmem:$0x9100] =	vst v63  }
0x5a: {  	v3 =	vld [tilespmem:$0x70];
	_ =	sdelay $0x4  }
0x5b: {  	v62 =	vshll.u32 v3, $0x1  }
0x5c: {  	v3 =	vand.u32 $0x7, v3;
	v4 =	vand.u32 $0xFFFFFFF0, v62  }
0x5d: {  	v3 =	vor.u32 v3, v4  }
0x5e: {  	v4 =	vperm.xlane v3, v0;
	_ =	sdelay $0x1  }
0x5f: {  	v3 =	vperm.xlane v3, v2;
	v4 =	vadd.s32 v1, v4;
	_ =	sdelay $0x1  }
0x60: {  	v3 =	vadd.s32 v1, v3;
	_ =	sdelay $0x2  }
0x61: {  	[tilespmem:s22], [sflag:$0x1] =	stream.indirect_vreg.gather [hbm4b:s1+s3], $0x80, v4, vm0, $0xb8;
	[tilespmem:$0x9100] =	vst v63  }
0x62: {  	_ = 	snop  }
0x63: {  	[tilespmem:s23], [sflag:$0x1] =	stream.indirect_vreg.gather [hbm4b:s1+s3], $0x80, v3, vm0, $0xb8;
	[tilespmem:$0x9100] =	vst v63  }
0x64: {  	v3 =	vld [tilespmem:$0x80];
	_ =	sdelay $0x4  }
0x65: {  	v63 =	vshll.u32 v3, $0x1  }
0x66: {  	v3 =	vand.u32 $0x7, v3;
	v4 =	vand.u32 $0xFFFFFFF0, v63  }
0x67: {  	v3 =	vor.u32 v3, v4  }
0x68: {  	v4 =	vperm.xlane v3, v0;
	_ =	sdelay $0x1  }
0x69: {  	v3 =	vperm.xlane v3, v2;
	v4 =	vadd.s32 v1, v4;
	_ =	sdelay $0x1  }
0x6a: {  	v3 =	vadd.s32 v1, v3;
	_ =	sdelay $0x2  }
0x6b: {  	[tilespmem:s24], [sflag:$0x1] =	stream.indirect_vreg.gather [hbm4b:s1+s3], $0x80, v4, vm0, $0xb8;
	[tilespmem:$0x9100] =	vst v63  }
0x6c: {  	_ = 	snop  }
0x6d: {  	[tilespmem:s25], [sflag:$0x1] =	stream.indirect_vreg.gather [hbm4b:s1+s3], $0x80, v3, vm0, $0xb8;
	[tilespmem:$0x9100] =	vst v63  }
0x6e: {  	_ =	swait.ge [sflag:s26], $0x9000  }
0x6f: {  	p0 =	sne.s32 s6, $0x1;
	[sflag:s26] =	ssyncset.done $0x0  }
.Ltmp0:
0x70: {  	[sflag:s26] =	ssyncadd.s32 $0xFFFF7000;
	(pc) =	sbr.rel @p0 .LBB2_1-.Ltmp0, $4  }
0x71: {  	[hbm4b:s5+s3] =	stream.linear.scatter [tilespmem:s8], [sflag:$0x2], $0x9000, $0x38;
	[tilespmem:$0x9100] =	vst v63  }
0x72: {  	_ =	swait.ge [sflag:s7], $0x9000  }
0x73: {  	[sflag:s7] =	ssyncset.done $0x0  }
0x74: {  	s6 =	sadd.s32 $0xFFFFFFFF, s6;
	[sflag:s7] =	ssyncadd.s32 $0xFFFF7000  }
0x75: {  	_ =	sfence.sel $0x180000  }
0x76: {  	[bflag:$0x0] =	sbarrier.arrive $0xFFFF  }
0x77: {  	p0 =	sne.s32 s0, $0x0;
	_ =	strace $0x90000047  }
0x78: {  	s0 =	sadd.s32 @!p0 $0x100000, s2;
	[bflag:$0x2] =	sbarrier.arrive $0xFFFF  }
0x79: {  	[sflag:s0] =	ssyncadd.tile.s32 @!p0 $0x1;
	_ =	shalt  }
.Lfunc_end2:
_tile_overlayer_lowered:
.L_overlay_start_2:
0x7a: {  	(tag) =	ssettag $0x2  }
0x7b: {  	s0 =	rddreg [dreg:$0x0];
	s2 =	stileid.u32  }
0x7c: {  	s1 =	rddreg [dreg:$0x1];
	p0 =	sne.s32 s2, $0x0  }
0x7d: {  	s3 =	rddreg [dreg:$0x2];
	[bflag:$0x3] =	sbarrier.arrive $0xFFFF;
	s2 =	simm.s32 @!p0 $0x1C02  }
0x7e: {  	[timem:s3], [sflag:s2] =	dma.local @!p0 [hbm:s0], s1  }
0x7f: {  	s0 =	simm.s32 @!p0 $0x2  }
0x80: {  	_ =	swait.ge @!p0 [sflag:s0], s1  }
0x81: {  	s1 =	ssub.s32 @!p0 $0x0, s1;
	[sflag:s0] =	ssyncset.done @!p0 $0x0  }
0x82: {  	[sflag:s0] =	ssyncadd.s32 @!p0 s1  }
0x83: {  	[bflag:$0x3] =	sbarrier.arrive $0xFFFF  }
0x84: {  	_ =	shalt  }

</sc_bundles>
